<compile_context>
chip_gen: v7x
topology: tpu7x:2x2x1
jax: 0.10.2.dev20260603
libtpu: 0.0.44.dev20260713+nightly
codegen_flags: <defaults>
</compile_context>

<pallas_src>
import jax
import jax.numpy as jnp
from jax import lax
from jax.experimental import pallas as pl
from jax.experimental.pallas import tpu as pltpu
from jax.experimental.pallas import tpu_sc as plsc

N_NODES = 10000
N_EDGES = 320000
NF = 128

NC = 2
NT = 16
K = 80
EPT = N_EDGES // (NC * NT)
CHUNKS = EPT // K
STRIPE = 624
TAIL = N_NODES - NT * STRIPE


def _mm_scale(x, W, degp_t):
    def body(x_ref, w_ref, d_ref, g_ref):
        deg = d_ref[:, 0:1] + d_ref[:, 1:2] + 1.0
        xs = x_ref[...] * lax.rsqrt(deg)
        g_ref[...] = jnp.dot(xs, w_ref[...],
                             preferred_element_type=jnp.float32)

    return pl.pallas_call(
        body,
        grid=(10,),
        in_specs=[
            pl.BlockSpec((N_NODES // 10, NF), lambda i: (i, 0)),
            pl.BlockSpec((NF, NF), lambda i: (0, 0)),
            pl.BlockSpec((N_NODES // 10, NC), lambda i: (i, 0)),
        ],
        out_specs=pl.BlockSpec((N_NODES // 10, NF), lambda i: (i, 0)),
        out_shape=jax.ShapeDtypeStruct((N_NODES, NF), jnp.float32),
    )(x, W, degp_t)


def _deg_body(dst_hbm, out_hbm, di_all, ones_v, zeros_v, deg_sh, dsem, lsem):
    c = lax.axis_index("c")
    s = lax.axis_index("s")

    pltpu.async_copy(dst_hbm.at[c * NT + s], di_all, lsem)

    @pl.loop(0, K, step=16)
    def _(j):
        ones_v[pl.ds(j, 16)] = jnp.ones((16,), jnp.float32)

    @pl.when(s == 0)
    def _():
        @pl.loop(0, N_NODES, step=16)
        def _(j):
            zeros_v[pl.ds(j, 16)] = jnp.zeros((16,), jnp.float32)

        pltpu.sync_copy(zeros_v, deg_sh)

    pltpu.make_async_copy(dst_hbm.at[c * NT + s], di_all, lsem).wait()
    plsc.subcore_barrier()

    @pl.loop(0, CHUNKS)
    def _(j):
        pltpu.async_copy(ones_v, deg_sh.at[di_all.at[j]], dsem, add=True)

    @pl.loop(0, CHUNKS)
    def _(j):
        pltpu.make_async_copy(ones_v, deg_sh.at[di_all.at[j]], dsem).wait()

    plsc.subcore_barrier()

    @pl.when(s == 0)
    def _():
        pltpu.sync_copy(deg_sh, zeros_v)
        pltpu.sync_copy(zeros_v, out_hbm.at[pl.ds(c * N_NODES, N_NODES)])


def _deg(dst3d):
    mesh = plsc.VectorSubcoreMesh(core_axis_name="c", subcore_axis_name="s")
    call = pl.kernel(
        _deg_body,
        out_type=jax.ShapeDtypeStruct((NC * N_NODES,), jnp.float32),
        mesh=mesh,
        scratch_types=[
            pltpu.VMEM((CHUNKS, K), jnp.int32),
            pltpu.VMEM((K,), jnp.float32),
            pltpu.VMEM((N_NODES,), jnp.float32),
            pltpu.VMEM_SHARED((N_NODES,), jnp.float32),
            pltpu.SemaphoreType.DMA,
            pltpu.SemaphoreType.DMA,
        ],
    )
    return call(dst3d)


def _edge_body(g_hbm, src_hbm, dst_hbm, out_hbm,
               si_v, di_all, rows0, rows1, acc_sh,
               gsem0, gsem1, ssem0, ssem1):
    c = lax.axis_index("c")
    s = lax.axis_index("s")

    pltpu.async_copy(src_hbm.at[pl.ds((c * NT + s) * EPT, EPT)], si_v, ssem0)
    pltpu.async_copy(dst_hbm.at[c * NT + s], di_all, ssem1)

    @pl.loop(0, K)
    def _(r):
        @pl.loop(0, NF, step=16)
        def _(j):
            rows0[r, pl.ds(j, 16)] = jnp.zeros((16,), jnp.float32)

    r0 = s * STRIPE

    @pl.loop(0, 560, step=K)
    def _(k):
        pltpu.sync_copy(rows0, acc_sh.at[pl.ds(r0 + k, K)])

    pltpu.sync_copy(rows0.at[pl.ds(0, STRIPE - 560)],
                    acc_sh.at[pl.ds(r0 + 560, STRIPE - 560)])

    @pl.when(s == NT - 1)
    def _():
        pltpu.sync_copy(rows0.at[pl.ds(0, TAIL)],
                        acc_sh.at[pl.ds(NT * STRIPE, TAIL)])

    pltpu.make_async_copy(src_hbm.at[pl.ds((c * NT + s) * EPT, EPT)],
                          si_v, ssem0).wait()
    pltpu.make_async_copy(dst_hbm.at[c * NT + s], di_all, ssem1).wait()

    def g_start(buf, sem, j):
        pltpu.async_copy(g_hbm.at[si_v.at[pl.ds(j * K, K)]], buf, sem)

    def g_wait(buf, sem, j):
        pltpu.make_async_copy(g_hbm.at[si_v.at[pl.ds(j * K, K)]],
                              buf, sem).wait()

    def s_start(buf, sem, j):
        pltpu.async_copy(buf, acc_sh.at[di_all.at[j]], sem, add=True)

    def s_wait(buf, sem, j):
        pltpu.make_async_copy(buf, acc_sh.at[di_all.at[j]], sem).wait()

    g_start(rows0, gsem0, 0)
    g_start(rows1, gsem1, 1)

    plsc.subcore_barrier()

    @pl.loop(0, CHUNKS - 3, step=2)
    def _(j):
        g_wait(rows0, gsem0, j)
        s_start(rows0, ssem0, j)
        g_wait(rows1, gsem1, j + 1)
        s_start(rows1, ssem1, j + 1)
        s_wait(rows0, ssem0, j)
        g_start(rows0, gsem0, j + 2)
        s_wait(rows1, ssem1, j + 1)
        g_start(rows1, gsem1, j + 3)

    g_wait(rows0, gsem0, CHUNKS - 3)
    s_start(rows0, ssem0, CHUNKS - 3)
    g_wait(rows1, gsem1, CHUNKS - 2)
    s_start(rows1, ssem1, CHUNKS - 2)
    s_wait(rows0, ssem0, CHUNKS - 3)
    g_start(rows0, gsem0, CHUNKS - 1)
    g_wait(rows0, gsem0, CHUNKS - 1)
    s_start(rows0, ssem0, CHUNKS - 1)
    s_wait(rows1, ssem1, CHUNKS - 2)
    s_wait(rows0, ssem0, CHUNKS - 1)

    plsc.subcore_barrier()
    pltpu.sync_copy(acc_sh.at[pl.ds(r0, STRIPE)],
                    out_hbm.at[c, pl.ds(r0, STRIPE)])

    @pl.when(s == NT - 1)
    def _():
        pltpu.sync_copy(acc_sh.at[pl.ds(NT * STRIPE, TAIL)],
                        out_hbm.at[c, pl.ds(NT * STRIPE, TAIL)])


def _edge_pass(g, src_flat, dst3d):
    mesh = plsc.VectorSubcoreMesh(core_axis_name="c", subcore_axis_name="s")
    call = pl.kernel(
        _edge_body,
        out_type=jax.ShapeDtypeStruct((NC, N_NODES, NF), jnp.float32),
        mesh=mesh,
        scratch_types=[
            pltpu.VMEM((EPT,), jnp.int32),
            pltpu.VMEM((CHUNKS, K), jnp.int32),
            pltpu.VMEM((K, NF), jnp.float32),
            pltpu.VMEM((K, NF), jnp.float32),
            pltpu.VMEM_SHARED((N_NODES, NF), jnp.float32),
            pltpu.SemaphoreType.DMA,
            pltpu.SemaphoreType.DMA,
            pltpu.SemaphoreType.DMA,
            pltpu.SemaphoreType.DMA,
        ],
    )
    return call(g, src_flat, dst3d)


def _final(acc_p, g, degp_t, b2d):
    def body(a_ref, g_ref, d_ref, b_ref, o_ref):
        deg = d_ref[:, 0:1] + d_ref[:, 1:2] + 1.0
        dis = lax.rsqrt(deg)
        acc = a_ref[0] + a_ref[1] + g_ref[...]
        o_ref[...] = acc * dis + b_ref[...]

    return pl.pallas_call(
        body,
        grid=(10,),
        in_specs=[
            pl.BlockSpec((NC, N_NODES // 10, NF), lambda i: (0, i, 0)),
            pl.BlockSpec((N_NODES // 10, NF), lambda i: (i, 0)),
            pl.BlockSpec((N_NODES // 10, NC), lambda i: (i, 0)),
            pl.BlockSpec((1, NF), lambda i: (0, 0)),
        ],
        out_specs=pl.BlockSpec((N_NODES // 10, NF), lambda i: (i, 0)),
        out_shape=jax.ShapeDtypeStruct((N_NODES, NF), jnp.float32),
    )(acc_p, g, degp_t, b2d)


def kernel(x, edge_index, W, b):
    src_flat = edge_index[0].astype(jnp.int32).reshape(N_EDGES)
    dst3d = edge_index[1].astype(jnp.int32).reshape(NC * NT, CHUNKS, K)

    deg_p = _deg(dst3d)
    degp_t = deg_p.reshape(NC, N_NODES).T
    g = _mm_scale(x, W, degp_t)
    acc_p = _edge_pass(g, src_flat, dst3d)
    return _final(acc_p, g, degp_t, b.reshape(1, NF))

# --- scband reference (transcript-rebuilt; emitter-appended) ---
"""Pipeline reference for scband-gcn-6356551598795 (READ-ONLY COPY).

The authoritative reference and input builder live on the scoring server;
editing this copy changes nothing except your own understanding.
"""

import jax, jax.numpy as jnp
import numpy as np

N_NODES = 10000
N_EDGES = 320000
NFEAT = 128
NHID = 128


def setup_inputs(seed: int = 0) -> dict:
    key = jax.random.key(seed)
    k1, k2, k3, k4 = jax.random.split(key, 4)
    x = jax.random.normal(k1, (N_NODES, NFEAT), dtype=jnp.float32)
    edge_index = jax.random.randint(k2, (2, N_EDGES), 0, N_NODES, dtype=jnp.int64)
    # GCNConv learned parameters (glorot-style init for weight, zeros for bias)
    W = jax.random.normal(k3, (NFEAT, NHID), dtype=jnp.float32) * (1.0 / np.sqrt(NFEAT))
    b = jnp.zeros((NHID,), dtype=jnp.float32)
    return {"x": x, "edge_index": edge_index, "W": W, "b": b}


def reference(x, edge_index, W, b):
    # Faithful GCNConv (PyG semantics): linear transform, add self-loops,
    # symmetric degree normalization, scatter-add aggregation at dst, bias.
    N = x.shape[0]
    src = edge_index[0]
    dst = edge_index[1]
    loop = jnp.arange(N, dtype=edge_index.dtype)
    src = jnp.concatenate([src, loop])
    dst = jnp.concatenate([dst, loop])
    h = x @ W
    deg = jnp.zeros((N,), dtype=h.dtype).at[dst].add(1.0)
    deg_inv_sqrt = jnp.where(deg > 0, deg ** -0.5, 0.0)
    norm = deg_inv_sqrt[src] * deg_inv_sqrt[dst]
    msg = h[src] * norm[:, None]
    out = jnp.zeros((N, h.shape[1]), dtype=h.dtype).at[dst].add(msg)
    return out + b

if __name__ == "__main__":
    import jax
    _d = setup_inputs()
    print(jax.jit(kernel)(*tuple(_d.values())))

</pallas_src>

<mosaic_0001>
#map = affine_map<(d0, d1) -> (0, 0, 0)>
#map1 = affine_map<(d0, d1) -> (0)>
module attributes {stable_mosaic.version = 14 : i64} {
  func.func @_deg_body(%arg0: i32, %arg1: i32, %arg2: memref<32x125x80xi32, #tpu.memory_space<hbm>>, %arg3: memref<20000xf32, #tpu.memory_space<hbm>>, %arg4: memref<125x80xi32, #tpu.memory_space<vmem>>, %arg5: memref<80xf32, #tpu.memory_space<vmem>>, %arg6: memref<10000xf32, #tpu.memory_space<vmem>>, %arg7: memref<10000xf32, #tpu.memory_space<vmem_shared>>, %arg8: memref<!tpu.dma_semaphore, #tpu.memory_space<semaphore_mem>>, %arg9: memref<!tpu.dma_semaphore, #tpu.memory_space<semaphore_mem>>) attributes {dimension_semantics = [#tpu.dimension_semantics<core_parallel>, #tpu.dimension_semantics<subcore_parallel>], iteration_bounds = array<i64: 2, 16>, scalar_prefetch = 0 : i64, scratch_operands = 6 : i64, tpu.core_type = #tpu.core_type<sc_vector_subcore>, window_params = [{transform_indices = #map}, {transform_indices = #map1}]} {
    %mul3A = arith.constant 16 : i32
    %mul3A_0 = arith.muli %arg0, %mul3A : i32
    %add3A = arith.addi %mul3A_0, %arg1 : i32
    %dma_start3A = arith.constant 0 : i32
    %dma_start3A_1 = arith.constant 0 : i32
    %dma_start3A_2 = tpu.memref_slice %arg2[%add3A, %dma_start3A, %dma_start3A_1] : memref<32x125x80xi32, #tpu.memory_space<hbm>> -> memref<1x125x80xi32, #tpu.memory_space<hbm>>
    %dma_start3A_3 = tpu.memref_squeeze %dma_start3A_2 : memref<1x125x80xi32, #tpu.memory_space<hbm>> -> memref<125x80xi32, #tpu.memory_space<hbm>>
    %dma_start3A_4 = arith.constant 0 : i32
    %dma_start3A_5 = arith.constant 0 : i32
    %dma_start3A_6 = tpu.memref_slice %arg2[%add3A, %dma_start3A_4, %dma_start3A_5] : memref<32x125x80xi32, #tpu.memory_space<hbm>> -> memref<1x125x80xi32, #tpu.memory_space<hbm>>
    %dma_start3A_7 = tpu.memref_squeeze %dma_start3A_6 : memref<1x125x80xi32, #tpu.memory_space<hbm>> -> memref<125x80xi32, #tpu.memory_space<hbm>>
    tpu.enqueue_dma source(%dma_start3A_7 : memref<125x80xi32, #tpu.memory_space<hbm>>) target(%arg4 : memref<125x80xi32, #tpu.memory_space<vmem>>) target_semaphore(%arg9 : memref<!tpu.dma_semaphore, #tpu.memory_space<semaphore_mem>>)
    %scan3A = arith.constant 0 : i32
    %scan3A_8 = arith.constant 5 : i32
    %scan3A_9 = arith.addi %scan3A, %scan3A_8 : i32
    %scan3A_10 = arith.constant 1 : i32
    scf.for %scan3A_40 = %scan3A to %scan3A_9 step %scan3A_10  : i32 {
      %mul3A_41 = arith.constant 16 : i32
      %mul3A_42 = arith.muli %scan3A_40, %mul3A_41 : i32
      %add3A_43 = arith.constant 0 : i32
      %add3A_44 = arith.addi %add3A_43, %mul3A_42 : i32
      %broadcast_in_dim3A = arith.constant 1.000000e+00 : f32
      %broadcast_in_dim3A_45 = vector.broadcast %broadcast_in_dim3A : f32 to vector<16xf32>
      %swap3A = arith.index_cast %add3A_44 : i32 to index
      %swap3A_46 = tpu.vector_load %arg5[%swap3A] {strides = array<i32>} : memref<80xf32, #tpu.memory_space<vmem>>, vector<16xf32>,
      %swap3A_47 = vector.shape_cast %swap3A_46 : vector<16xf32> to vector<16xf32>
      %swap3A_48 = vector.shape_cast %broadcast_in_dim3A_45 : vector<16xf32> to vector<16xf32>
      tpu.vector_store %arg5[%swap3A], %swap3A_48 {strides = array<i32>} : memref<80xf32, #tpu.memory_space<vmem>>, vector<16xf32>,
    }
    %scan3A_11 = arith.constant 5 : i32
    %eq3A = arith.constant 0 : i32
    %eq3A_12 = arith.cmpi eq, %arg1, %eq3A : i32
    %convert_element_type3A = arith.extui %eq3A_12 : i1 to i32
    %cond3A = arith.constant 0 : i32
    %cond3A_13 = arith.cmpi ne, %convert_element_type3A, %cond3A : i32
    scf.if %cond3A_13 {
      %scan3A_40 = arith.constant 0 : i32
      %scan3A_41 = arith.constant 625 : i32
      %scan3A_42 = arith.addi %scan3A_40, %scan3A_41 : i32
      %scan3A_43 = arith.constant 1 : i32
      scf.for %scan3A_45 = %scan3A_40 to %scan3A_42 step %scan3A_43  : i32 {
        %mul3A_46 = arith.constant 16 : i32
        %mul3A_47 = arith.muli %scan3A_45, %mul3A_46 : i32
        %add3A_48 = arith.constant 0 : i32
        %add3A_49 = arith.addi %add3A_48, %mul3A_47 : i32
        %broadcast_in_dim3A = arith.constant 0.000000e+00 : f32
        %broadcast_in_dim3A_50 = vector.broadcast %broadcast_in_dim3A : f32 to vector<16xf32>
        %swap3A = arith.index_cast %add3A_49 : i32 to index
        %swap3A_51 = tpu.vector_load %arg6[%swap3A] {strides = array<i32>} : memref<10000xf32, #tpu.memory_space<vmem>>, vector<16xf32>,
        %swap3A_52 = vector.shape_cast %swap3A_51 : vector<16xf32> to vector<16xf32>
        %swap3A_53 = vector.shape_cast %broadcast_in_dim3A_50 : vector<16xf32> to vector<16xf32>
        tpu.vector_store %arg6[%swap3A], %swap3A_53 {strides = array<i32>} : memref<10000xf32, #tpu.memory_space<vmem>>, vector<16xf32>,
      }
      %scan3A_44 = arith.constant 625 : i32
      "tpu.region"() ({
        %run_scoped3A = tpu.sem_alloc : memref<!tpu.dma_semaphore, #tpu.memory_space<semaphore_mem>>
        tpu.enqueue_dma source(%arg6 : memref<10000xf32, #tpu.memory_space<vmem>>) target(%arg7 : memref<10000xf32, #tpu.memory_space<vmem_shared>>) target_semaphore(%run_scoped3A : memref<!tpu.dma_semaphore, #tpu.memory_space<semaphore_mem>>)
        tpu.wait_dma2 semaphore(%run_scoped3A : memref<!tpu.dma_semaphore, #tpu.memory_space<semaphore_mem>>) src(%arg6 : memref<10000xf32, #tpu.memory_space<vmem>>) dst(%arg7 : memref<10000xf32, #tpu.memory_space<vmem_shared>>)
        tpu.yield
      }) : () -> ()
    } else {
    }
    %mul3A_14 = arith.constant 16 : i32
    %mul3A_15 = arith.muli %arg0, %mul3A_14 : i32
    %add3A_16 = arith.addi %mul3A_15, %arg1 : i32
    %dma_wait3A = arith.constant 0 : i32
    %dma_wait3A_17 = arith.constant 0 : i32
    %dma_wait3A_18 = tpu.memref_slice %arg2[%add3A_16, %dma_wait3A, %dma_wait3A_17] : memref<32x125x80xi32, #tpu.memory_space<hbm>> -> memref<1x125x80xi32, #tpu.memory_space<hbm>>
    %dma_wait3A_19 = tpu.memref_squeeze %dma_wait3A_18 : memref<1x125x80xi32, #tpu.memory_space<hbm>> -> memref<125x80xi32, #tpu.memory_space<hbm>>
    %dma_wait3A_20 = arith.constant 0 : i32
    %dma_wait3A_21 = arith.constant 0 : i32
    %dma_wait3A_22 = tpu.memref_slice %arg2[%add3A_16, %dma_wait3A_20, %dma_wait3A_21] : memref<32x125x80xi32, #tpu.memory_space<hbm>> -> memref<1x125x80xi32, #tpu.memory_space<hbm>>
    %dma_wait3A_23 = tpu.memref_squeeze %dma_wait3A_22 : memref<1x125x80xi32, #tpu.memory_space<hbm>> -> memref<125x80xi32, #tpu.memory_space<hbm>>
    tpu.wait_dma2 semaphore(%arg9 : memref<!tpu.dma_semaphore, #tpu.memory_space<semaphore_mem>>) src(%dma_wait3A_23 : memref<125x80xi32, #tpu.memory_space<hbm>>) dst(%arg4 : memref<125x80xi32, #tpu.memory_space<vmem>>)
    %barrier3A = arith.constant 0 : index
    tpu.barrier barrier_id(%barrier3A)
    %scan3A_24 = arith.constant 0 : i32
    %scan3A_25 = arith.constant 125 : i32
    %scan3A_26 = arith.addi %scan3A_24, %scan3A_25 : i32
    %scan3A_27 = arith.constant 1 : i32
    scf.for %scan3A_40 = %scan3A_24 to %scan3A_26 step %scan3A_27  : i32 {
      %mul3A_41 = arith.constant 1 : i32
      %mul3A_42 = arith.muli %scan3A_40, %mul3A_41 : i32
      %add3A_43 = arith.constant 0 : i32
      %add3A_44 = arith.addi %add3A_43, %mul3A_42 : i32
      %dma_start3A_45 = arith.constant 0 : i32
      %dma_start3A_46 = tpu.memref_slice %arg4[%add3A_44, %dma_start3A_45] : memref<125x80xi32, #tpu.memory_space<vmem>> -> memref<1x80xi32, #tpu.memory_space<vmem>>
      %dma_start3A_47 = tpu.memref_squeeze %dma_start3A_46 : memref<1x80xi32, #tpu.memory_space<vmem>> -> memref<80xi32, #tpu.memory_space<vmem>>
      %dma_start3A_48 = arith.constant 0 : i32
      %dma_start3A_49 = tpu.memref_slice %arg7[%dma_start3A_48] : memref<10000xf32, #tpu.memory_space<vmem_shared>> -> memref<10000xf32, #tpu.memory_space<vmem_shared>>
      tpu.enqueue_indirect_dma source(%arg5 : memref<80xf32, #tpu.memory_space<vmem>>) target(%dma_start3A_49 : memref<10000xf32, #tpu.memory_space<vmem_shared>>) offsets(%dma_start3A_47 : memref<80xi32, #tpu.memory_space<vmem>>) semaphore(%arg8 : memref<!tpu.dma_semaphore, #tpu.memory_space<semaphore_mem>>) {add = true}
    }
    %scan3A_28 = arith.constant 125 : i32
    %scan3A_29 = arith.constant 0 : i32
    %scan3A_30 = arith.constant 125 : i32
    %scan3A_31 = arith.addi %scan3A_29, %scan3A_30 : i32
    %scan3A_32 = arith.constant 1 : i32
    scf.for %scan3A_40 = %scan3A_29 to %scan3A_31 step %scan3A_32  : i32 {
      %mul3A_41 = arith.constant 1 : i32
      %mul3A_42 = arith.muli %scan3A_40, %mul3A_41 : i32
      %add3A_43 = arith.constant 0 : i32
      %add3A_44 = arith.addi %add3A_43, %mul3A_42 : i32
      %dma_wait3A_45 = arith.constant 0 : i32
      %dma_wait3A_46 = tpu.memref_slice %arg4[%add3A_44, %dma_wait3A_45] : memref<125x80xi32, #tpu.memory_space<vmem>> -> memref<1x80xi32, #tpu.memory_space<vmem>>
      %dma_wait3A_47 = tpu.memref_squeeze %dma_wait3A_46 : memref<1x80xi32, #tpu.memory_space<vmem>> -> memref<80xi32, #tpu.memory_space<vmem>>
      %dma_wait3A_48 = arith.constant 0 : i32
      %dma_wait3A_49 = tpu.memref_slice %arg7[%dma_wait3A_48] : memref<10000xf32, #tpu.memory_space<vmem_shared>> -> memref<10000xf32, #tpu.memory_space<vmem_shared>>
      tpu.wait_indirect_dma semaphore(%arg8 : memref<!tpu.dma_semaphore, #tpu.memory_space<semaphore_mem>>) src(%arg5 : memref<80xf32, #tpu.memory_space<vmem>>) dst(%dma_wait3A_49 : memref<10000xf32, #tpu.memory_space<vmem_shared>>)
    }
    %scan3A_33 = arith.constant 125 : i32
    %barrier3A_34 = arith.constant 0 : index
    tpu.barrier barrier_id(%barrier3A_34)
    %eq3A_35 = arith.constant 0 : i32
    %eq3A_36 = arith.cmpi eq, %arg1, %eq3A_35 : i32
    %convert_element_type3A_37 = arith.extui %eq3A_36 : i1 to i32
    %cond3A_38 = arith.constant 0 : i32
    %cond3A_39 = arith.cmpi ne, %convert_element_type3A_37, %cond3A_38 : i32
    scf.if %cond3A_39 {
      "tpu.region"() ({
        %run_scoped3A = tpu.sem_alloc : memref<!tpu.dma_semaphore, #tpu.memory_space<semaphore_mem>>
        tpu.enqueue_dma source(%arg7 : memref<10000xf32, #tpu.memory_space<vmem_shared>>) target(%arg6 : memref<10000xf32, #tpu.memory_space<vmem>>) target_semaphore(%run_scoped3A : memref<!tpu.dma_semaphore, #tpu.memory_space<semaphore_mem>>)
        tpu.wait_dma2 semaphore(%run_scoped3A : memref<!tpu.dma_semaphore, #tpu.memory_space<semaphore_mem>>) src(%arg7 : memref<10000xf32, #tpu.memory_space<vmem_shared>>) dst(%arg6 : memref<10000xf32, #tpu.memory_space<vmem>>)
        tpu.yield
      }) : () -> ()
      %mul3A_40 = arith.constant 10000 : i32
      %mul3A_41 = arith.muli %arg0, %mul3A_40 : i32
      "tpu.region"() ({
        %run_scoped3A = tpu.sem_alloc : memref<!tpu.dma_semaphore, #tpu.memory_space<semaphore_mem>>
        %dma_start3A_42 = tpu.memref_slice %arg3[%mul3A_41] : memref<20000xf32, #tpu.memory_space<hbm>> -> memref<10000xf32, #tpu.memory_space<hbm>>
        %dma_start3A_43 = tpu.memref_slice %arg3[%mul3A_41] : memref<20000xf32, #tpu.memory_space<hbm>> -> memref<10000xf32, #tpu.memory_space<hbm>>
        tpu.enqueue_dma source(%arg6 : memref<10000xf32, #tpu.memory_space<vmem>>) target(%dma_start3A_43 : memref<10000xf32, #tpu.memory_space<hbm>>) target_semaphore(%run_scoped3A : memref<!tpu.dma_semaphore, #tpu.memory_space<semaphore_mem>>)
        %dma_wait3A_44 = tpu.memref_slice %arg3[%mul3A_41] : memref<20000xf32, #tpu.memory_space<hbm>> -> memref<10000xf32, #tpu.memory_space<hbm>>
        %dma_wait3A_45 = tpu.memref_slice %arg3[%mul3A_41] : memref<20000xf32, #tpu.memory_space<hbm>> -> memref<10000xf32, #tpu.memory_space<hbm>>
        tpu.wait_dma2 semaphore(%run_scoped3A : memref<!tpu.dma_semaphore, #tpu.memory_space<semaphore_mem>>) src(%arg6 : memref<10000xf32, #tpu.memory_space<vmem>>) dst(%dma_wait3A_45 : memref<10000xf32, #tpu.memory_space<hbm>>)
        tpu.yield
      }) : () -> ()
    } else {
    }
    return
  }
}

#map = affine_map<(d0, d1) -> (0, 0)>
#map1 = affine_map<(d0, d1) -> (0)>
#map2 = affine_map<(d0, d1) -> (0, 0, 0)>
module attributes {stable_mosaic.version = 14 : i64} {
  func.func @_edge_body(%arg0: i32, %arg1: i32, %arg2: memref<10000x128xf32, #tpu.memory_space<hbm>>, %arg3: memref<320000xi32, #tpu.memory_space<hbm>>, %arg4: memref<32x125x80xi32, #tpu.memory_space<hbm>>, %arg5: memref<2x10000x128xf32, #tpu.memory_space<hbm>>, %arg6: memref<10000xi32, #tpu.memory_space<vmem>>, %arg7: memref<125x80xi32, #tpu.memory_space<vmem>>, %arg8: memref<80x128xf32, #tpu.memory_space<vmem>>, %arg9: memref<80x128xf32, #tpu.memory_space<vmem>>, %arg10: memref<10000x128xf32, #tpu.memory_space<vmem_shared>>, %arg11: memref<!tpu.dma_semaphore, #tpu.memory_space<semaphore_mem>>, %arg12: memref<!tpu.dma_semaphore, #tpu.memory_space<semaphore_mem>>, %arg13: memref<!tpu.dma_semaphore, #tpu.memory_space<semaphore_mem>>, %arg14: memref<!tpu.dma_semaphore, #tpu.memory_space<semaphore_mem>>) attributes {dimension_semantics = [#tpu.dimension_semantics<core_parallel>, #tpu.dimension_semantics<subcore_parallel>], iteration_bounds = array<i64: 2, 16>, scalar_prefetch = 0 : i64, scratch_operands = 9 : i64, tpu.core_type = #tpu.core_type<sc_vector_subcore>, window_params = [{transform_indices = #map}, {transform_indices = #map1}, {transform_indices = #map2}, {transform_indices = #map2}]} {
    %mul3A = arith.constant 16 : i32
    %mul3A_0 = arith.muli %arg0, %mul3A : i32
    %add3A = arith.addi %mul3A_0, %arg1 : i32
    %mul3A_1 = arith.constant 10000 : i32
    %mul3A_2 = arith.muli %add3A, %mul3A_1 : i32
    %dma_start3A = tpu.memref_slice %arg3[%mul3A_2] : memref<320000xi32, #tpu.memory_space<hbm>> -> memref<10000xi32, #tpu.memory_space<hbm>>
    %dma_start3A_3 = tpu.memref_slice %arg3[%mul3A_2] : memref<320000xi32, #tpu.memory_space<hbm>> -> memref<10000xi32, #tpu.memory_space<hbm>>
    tpu.enqueue_dma source(%dma_start3A_3 : memref<10000xi32, #tpu.memory_space<hbm>>) target(%arg6 : memref<10000xi32, #tpu.memory_space<vmem>>) target_semaphore(%arg13 : memref<!tpu.dma_semaphore, #tpu.memory_space<semaphore_mem>>)
    %mul3A_4 = arith.constant 16 : i32
    %mul3A_5 = arith.muli %arg0, %mul3A_4 : i32
    %add3A_6 = arith.addi %mul3A_5, %arg1 : i32
    %dma_start3A_7 = arith.constant 0 : i32
    %dma_start3A_8 = arith.constant 0 : i32
    %dma_start3A_9 = tpu.memref_slice %arg4[%add3A_6, %dma_start3A_7, %dma_start3A_8] : memref<32x125x80xi32, #tpu.memory_space<hbm>> -> memref<1x125x80xi32, #tpu.memory_space<hbm>>
    %dma_start3A_10 = tpu.memref_squeeze %dma_start3A_9 : memref<1x125x80xi32, #tpu.memory_space<hbm>> -> memref<125x80xi32, #tpu.memory_space<hbm>>
    %dma_start3A_11 = arith.constant 0 : i32
    %dma_start3A_12 = arith.constant 0 : i32
    %dma_start3A_13 = tpu.memref_slice %arg4[%add3A_6, %dma_start3A_11, %dma_start3A_12] : memref<32x125x80xi32, #tpu.memory_space<hbm>> -> memref<1x125x80xi32, #tpu.memory_space<hbm>>
    %dma_start3A_14 = tpu.memref_squeeze %dma_start3A_13 : memref<1x125x80xi32, #tpu.memory_space<hbm>> -> memref<125x80xi32, #tpu.memory_space<hbm>>
    tpu.enqueue_dma source(%dma_start3A_14 : memref<125x80xi32, #tpu.memory_space<hbm>>) target(%arg7 : memref<125x80xi32, #tpu.memory_space<vmem>>) target_semaphore(%arg14 : memref<!tpu.dma_semaphore, #tpu.memory_space<semaphore_mem>>)
    %scan3A = arith.constant 0 : i32
    %scan3A_15 = arith.constant 80 : i32
    %scan3A_16 = arith.addi %scan3A, %scan3A_15 : i32
    %scan3A_17 = arith.constant 1 : i32
    scf.for %scan3A_130 = %scan3A to %scan3A_16 step %scan3A_17  : i32 {
      %mul3A_131 = arith.constant 1 : i32
      %mul3A_132 = arith.muli %scan3A_130, %mul3A_131 : i32
      %add3A_133 = arith.constant 0 : i32
      %add3A_134 = arith.addi %add3A_133, %mul3A_132 : i32
      %scan3A_135 = arith.constant 0 : i32
      %scan3A_136 = arith.constant 8 : i32
      %scan3A_137 = arith.addi %scan3A_135, %scan3A_136 : i32
      %scan3A_138 = arith.constant 1 : i32
      scf.for %scan3A_140 = %scan3A_135 to %scan3A_137 step %scan3A_138  : i32 {
        %mul3A_141 = arith.constant 16 : i32
        %mul3A_142 = arith.muli %scan3A_140, %mul3A_141 : i32
        %add3A_143 = arith.constant 0 : i32
        %add3A_144 = arith.addi %add3A_143, %mul3A_142 : i32
        %broadcast_in_dim3A = arith.constant 0.000000e+00 : f32
        %broadcast_in_dim3A_145 = vector.broadcast %broadcast_in_dim3A : f32 to vector<16xf32>
        %swap3A = arith.index_cast %add3A_134 : i32 to index
        %swap3A_146 = arith.index_cast %add3A_144 : i32 to index
        %swap3A_147 = tpu.vector_load %arg8[%swap3A, %swap3A_146] {strides = array<i32>} : memref<80x128xf32, #tpu.memory_space<vmem>>, vector<1x16xf32>,
        %swap3A_148 = vector.shape_cast %swap3A_147 : vector<1x16xf32> to vector<16xf32>
        %swap3A_149 = vector.shape_cast %broadcast_in_dim3A_145 : vector<16xf32> to vector<1x16xf32>
        tpu.vector_store %arg8[%swap3A, %swap3A_146], %swap3A_149 {strides = array<i32>} : memref<80x128xf32, #tpu.memory_space<vmem>>, vector<1x16xf32>,
      }
      %scan3A_139 = arith.constant 8 : i32
    }
    %scan3A_18 = arith.constant 80 : i32
    %mul3A_19 = arith.constant 624 : i32
    %mul3A_20 = arith.muli %arg1, %mul3A_19 : i32
    %scan3A_21 = arith.constant 0 : i32
    %scan3A_22 = arith.constant 7 : i32
    %scan3A_23 = arith.addi %scan3A_21, %scan3A_22 : i32
    %scan3A_24 = arith.constant 1 : i32
    scf.for %scan3A_130 = %scan3A_21 to %scan3A_23 step %scan3A_24  : i32 {
      %mul3A_131 = arith.constant 80 : i32
      %mul3A_132 = arith.muli %scan3A_130, %mul3A_131 : i32
      %add3A_133 = arith.constant 0 : i32
      %add3A_134 = arith.addi %add3A_133, %mul3A_132 : i32
      %add3A_135 = arith.addi %mul3A_20, %add3A_134 : i32
      "tpu.region"() ({
        %run_scoped3A = tpu.sem_alloc : memref<!tpu.dma_semaphore, #tpu.memory_space<semaphore_mem>>
        %dma_start3A_136 = arith.constant 0 : i32
        %dma_start3A_137 = tpu.memref_slice %arg10[%add3A_135, %dma_start3A_136] : memref<10000x128xf32, #tpu.memory_space<vmem_shared>> -> memref<80x128xf32, #tpu.memory_space<vmem_shared>>
        %dma_start3A_138 = arith.constant 0 : i32
        %dma_start3A_139 = tpu.memref_slice %arg10[%add3A_135, %dma_start3A_138] : memref<10000x128xf32, #tpu.memory_space<vmem_shared>> -> memref<80x128xf32, #tpu.memory_space<vmem_shared>>
        tpu.enqueue_dma source(%arg8 : memref<80x128xf32, #tpu.memory_space<vmem>>) target(%dma_start3A_139 : memref<80x128xf32, #tpu.memory_space<vmem_shared>>) target_semaphore(%run_scoped3A : memref<!tpu.dma_semaphore, #tpu.memory_space<semaphore_mem>>)
        %dma_wait3A_140 = arith.constant 0 : i32
        %dma_wait3A_141 = tpu.memref_slice %arg10[%add3A_135, %dma_wait3A_140] : memref<10000x128xf32, #tpu.memory_space<vmem_shared>> -> memref<80x128xf32, #tpu.memory_space<vmem_shared>>
        %dma_wait3A_142 = arith.constant 0 : i32
        %dma_wait3A_143 = tpu.memref_slice %arg10[%add3A_135, %dma_wait3A_142] : memref<10000x128xf32, #tpu.memory_space<vmem_shared>> -> memref<80x128xf32, #tpu.memory_space<vmem_shared>>
        tpu.wait_dma2 semaphore(%run_scoped3A : memref<!tpu.dma_semaphore, #tpu.memory_space<semaphore_mem>>) src(%arg8 : memref<80x128xf32, #tpu.memory_space<vmem>>) dst(%dma_wait3A_143 : memref<80x128xf32, #tpu.memory_space<vmem_shared>>)
        tpu.yield
      }) : () -> ()
    }
    %scan3A_25 = arith.constant 7 : i32
    %add3A_26 = arith.constant 560 : i32
    %add3A_27 = arith.addi %mul3A_20, %add3A_26 : i32
    "tpu.region"() ({
      %run_scoped3A = tpu.sem_alloc : memref<!tpu.dma_semaphore, #tpu.memory_space<semaphore_mem>>
      %dma_start3A_130 = arith.constant 0 : i32
      %dma_start3A_131 = arith.constant 0 : i32
      %dma_start3A_132 = tpu.memref_slice %arg8[%dma_start3A_130, %dma_start3A_131] : memref<80x128xf32, #tpu.memory_space<vmem>> -> memref<64x128xf32, #tpu.memory_space<vmem>>
      %dma_start3A_133 = arith.constant 0 : i32
      %dma_start3A_134 = tpu.memref_slice %arg10[%add3A_27, %dma_start3A_133] : memref<10000x128xf32, #tpu.memory_space<vmem_shared>> -> memref<64x128xf32, #tpu.memory_space<vmem_shared>>
      %dma_start3A_135 = arith.constant 0 : i32
      %dma_start3A_136 = tpu.memref_slice %arg10[%add3A_27, %dma_start3A_135] : memref<10000x128xf32, #tpu.memory_space<vmem_shared>> -> memref<64x128xf32, #tpu.memory_space<vmem_shared>>
      %dma_start3A_137 = arith.constant 0 : i32
      %dma_start3A_138 = arith.constant 0 : i32
      %dma_start3A_139 = tpu.memref_slice %arg8[%dma_start3A_137, %dma_start3A_138] : memref<80x128xf32, #tpu.memory_space<vmem>> -> memref<64x128xf32, #tpu.memory_space<vmem>>
      tpu.enqueue_dma source(%dma_start3A_139 : memref<64x128xf32, #tpu.memory_space<vmem>>) target(%dma_start3A_136 : memref<64x128xf32, #tpu.memory_space<vmem_shared>>) target_semaphore(%run_scoped3A : memref<!tpu.dma_semaphore, #tpu.memory_space<semaphore_mem>>)
      %dma_wait3A_140 = arith.constant 0 : i32
      %dma_wait3A_141 = arith.constant 0 : i32
      %dma_wait3A_142 = tpu.memref_slice %arg8[%dma_wait3A_140, %dma_wait3A_141] : memref<80x128xf32, #tpu.memory_space<vmem>> -> memref<64x128xf32, #tpu.memory_space<vmem>>
      %dma_wait3A_143 = arith.constant 0 : i32
      %dma_wait3A_144 = tpu.memref_slice %arg10[%add3A_27, %dma_wait3A_143] : memref<10000x128xf32, #tpu.memory_space<vmem_shared>> -> memref<64x128xf32, #tpu.memory_space<vmem_shared>>
      %dma_wait3A_145 = arith.constant 0 : i32
      %dma_wait3A_146 = tpu.memref_slice %arg10[%add3A_27, %dma_wait3A_145] : memref<10000x128xf32, #tpu.memory_space<vmem_shared>> -> memref<64x128xf32, #tpu.memory_space<vmem_shared>>
      %dma_wait3A_147 = arith.constant 0 : i32
      %dma_wait3A_148 = arith.constant 0 : i32
      %dma_wait3A_149 = tpu.memref_slice %arg8[%dma_wait3A_147, %dma_wait3A_148] : memref<80x128xf32, #tpu.memory_space<vmem>> -> memref<64x128xf32, #tpu.memory_space<vmem>>
      tpu.wait_dma2 semaphore(%run_scoped3A : memref<!tpu.dma_semaphore, #tpu.memory_space<semaphore_mem>>) src(%dma_wait3A_149 : memref<64x128xf32, #tpu.memory_space<vmem>>) dst(%dma_wait3A_146 : memref<64x128xf32, #tpu.memory_space<vmem_shared>>)
      tpu.yield
    }) : () -> ()
    %eq3A = arith.constant 15 : i32
    %eq3A_28 = arith.cmpi eq, %arg1, %eq3A : i32
    %convert_element_type3A = arith.extui %eq3A_28 : i1 to i32
    %cond3A = arith.constant 0 : i32
    %cond3A_29 = arith.cmpi ne, %convert_element_type3A, %cond3A : i32
    scf.if %cond3A_29 {
      "tpu.region"() ({
        %run_scoped3A = tpu.sem_alloc : memref<!tpu.dma_semaphore, #tpu.memory_space<semaphore_mem>>
        %dma_start3A_130 = arith.constant 0 : i32
        %dma_start3A_131 = arith.constant 0 : i32
        %dma_start3A_132 = tpu.memref_slice %arg8[%dma_start3A_130, %dma_start3A_131] : memref<80x128xf32, #tpu.memory_space<vmem>> -> memref<16x128xf32, #tpu.memory_space<vmem>>
        %dma_start3A_133 = arith.constant 9984 : i32
        %dma_start3A_134 = arith.constant 0 : i32
        %dma_start3A_135 = tpu.memref_slice %arg10[%dma_start3A_133, %dma_start3A_134] : memref<10000x128xf32, #tpu.memory_space<vmem_shared>> -> memref<16x128xf32, #tpu.memory_space<vmem_shared>>
        %dma_start3A_136 = arith.constant 9984 : i32
        %dma_start3A_137 = arith.constant 0 : i32
        %dma_start3A_138 = tpu.memref_slice %arg10[%dma_start3A_136, %dma_start3A_137] : memref<10000x128xf32, #tpu.memory_space<vmem_shared>> -> memref<16x128xf32, #tpu.memory_space<vmem_shared>>
        %dma_start3A_139 = arith.constant 0 : i32
        %dma_start3A_140 = arith.constant 0 : i32
        %dma_start3A_141 = tpu.memref_slice %arg8[%dma_start3A_139, %dma_start3A_140] : memref<80x128xf32, #tpu.memory_space<vmem>> -> memref<16x128xf32, #tpu.memory_space<vmem>>
        tpu.enqueue_dma source(%dma_start3A_141 : memref<16x128xf32, #tpu.memory_space<vmem>>) target(%dma_start3A_138 : memref<16x128xf32, #tpu.memory_space<vmem_shared>>) target_semaphore(%run_scoped3A : memref<!tpu.dma_semaphore, #tpu.memory_space<semaphore_mem>>)
        %dma_wait3A_142 = arith.constant 0 : i32
        %dma_wait3A_143 = arith.constant 0 : i32
        %dma_wait3A_144 = tpu.memref_slice %arg8[%dma_wait3A_142, %dma_wait3A_143] : memref<80x128xf32, #tpu.memory_space<vmem>> -> memref<16x128xf32, #tpu.memory_space<vmem>>
        %dma_wait3A_145 = arith.constant 9984 : i32
        %dma_wait3A_146 = arith.constant 0 : i32
        %dma_wait3A_147 = tpu.memref_slice %arg10[%dma_wait3A_145, %dma_wait3A_146] : memref<10000x128xf32, #tpu.memory_space<vmem_shared>> -> memref<16x128xf32, #tpu.memory_space<vmem_shared>>
        %dma_wait3A_148 = arith.constant 9984 : i32
        %dma_wait3A_149 = arith.constant 0 : i32
        %dma_wait3A_150 = tpu.memref_slice %arg10[%dma_wait3A_148, %dma_wait3A_149] : memref<10000x128xf32, #tpu.memory_space<vmem_shared>> -> memref<16x128xf32, #tpu.memory_space<vmem_shared>>
        %dma_wait3A_151 = arith.constant 0 : i32
        %dma_wait3A_152 = arith.constant 0 : i32
        %dma_wait3A_153 = tpu.memref_slice %arg8[%dma_wait3A_151, %dma_wait3A_152] : memref<80x128xf32, #tpu.memory_space<vmem>> -> memref<16x128xf32, #tpu.memory_space<vmem>>
        tpu.wait_dma2 semaphore(%run_scoped3A : memref<!tpu.dma_semaphore, #tpu.memory_space<semaphore_mem>>) src(%dma_wait3A_153 : memref<16x128xf32, #tpu.memory_space<vmem>>) dst(%dma_wait3A_150 : memref<16x128xf32, #tpu.memory_space<vmem_shared>>)
        tpu.yield
      }) : () -> ()
    } else {
    }
    %mul3A_30 = arith.constant 16 : i32
    %mul3A_31 = arith.muli %arg0, %mul3A_30 : i32
    %add3A_32 = arith.addi %mul3A_31, %arg1 : i32
    %mul3A_33 = arith.constant 10000 : i32
    %mul3A_34 = arith.muli %add3A_32, %mul3A_33 : i32
    %dma_wait3A = tpu.memref_slice %arg3[%mul3A_34] : memref<320000xi32, #tpu.memory_space<hbm>> -> memref<10000xi32, #tpu.memory_space<hbm>>
    %dma_wait3A_35 = tpu.memref_slice %arg3[%mul3A_34] : memref<320000xi32, #tpu.memory_space<hbm>> -> memref<10000xi32, #tpu.memory_space<hbm>>
    tpu.wait_dma2 semaphore(%arg13 : memref<!tpu.dma_semaphore, #tpu.memory_space<semaphore_mem>>) src(%dma_wait3A_35 : memref<10000xi32, #tpu.memory_space<hbm>>) dst(%arg6 : memref<10000xi32, #tpu.memory_space<vmem>>)
    %mul3A_36 = arith.constant 16 : i32
    %mul3A_37 = arith.muli %arg0, %mul3A_36 : i32
    %add3A_38 = arith.addi %mul3A_37, %arg1 : i32
    %dma_wait3A_39 = arith.constant 0 : i32
    %dma_wait3A_40 = arith.constant 0 : i32
    %dma_wait3A_41 = tpu.memref_slice %arg4[%add3A_38, %dma_wait3A_39, %dma_wait3A_40] : memref<32x125x80xi32, #tpu.memory_space<hbm>> -> memref<1x125x80xi32, #tpu.memory_space<hbm>>
    %dma_wait3A_42 = tpu.memref_squeeze %dma_wait3A_41 : memref<1x125x80xi32, #tpu.memory_space<hbm>> -> memref<125x80xi32, #tpu.memory_space<hbm>>
    %dma_wait3A_43 = arith.constant 0 : i32
    %dma_wait3A_44 = arith.constant 0 : i32
    %dma_wait3A_45 = tpu.memref_slice %arg4[%add3A_38, %dma_wait3A_43, %dma_wait3A_44] : memref<32x125x80xi32, #tpu.memory_space<hbm>> -> memref<1x125x80xi32, #tpu.memory_space<hbm>>
    %dma_wait3A_46 = tpu.memref_squeeze %dma_wait3A_45 : memref<1x125x80xi32, #tpu.memory_space<hbm>> -> memref<125x80xi32, #tpu.memory_space<hbm>>
    tpu.wait_dma2 semaphore(%arg14 : memref<!tpu.dma_semaphore, #tpu.memory_space<semaphore_mem>>) src(%dma_wait3A_46 : memref<125x80xi32, #tpu.memory_space<hbm>>) dst(%arg7 : memref<125x80xi32, #tpu.memory_space<vmem>>)
    %dma_start3A_47 = arith.constant 0 : i32
    %dma_start3A_48 = tpu.memref_slice %arg6[%dma_start3A_47] : memref<10000xi32, #tpu.memory_space<vmem>> -> memref<80xi32, #tpu.memory_space<vmem>>
    %dma_start3A_49 = arith.constant 0 : i32
    %dma_start3A_50 = arith.constant 0 : i32
    %dma_start3A_51 = tpu.memref_slice %arg2[%dma_start3A_49, %dma_start3A_50] : memref<10000x128xf32, #tpu.memory_space<hbm>> -> memref<10000x128xf32, #tpu.memory_space<hbm>>
    tpu.enqueue_indirect_dma source(%dma_start3A_51 : memref<10000x128xf32, #tpu.memory_space<hbm>>) target(%arg8 : memref<80x128xf32, #tpu.memory_space<vmem>>) offsets(%dma_start3A_48 : memref<80xi32, #tpu.memory_space<vmem>>) semaphore(%arg11 : memref<!tpu.dma_semaphore, #tpu.memory_space<semaphore_mem>>)
    %dma_start3A_52 = arith.constant 80 : i32
    %dma_start3A_53 = tpu.memref_slice %arg6[%dma_start3A_52] : memref<10000xi32, #tpu.memory_space<vmem>> -> memref<80xi32, #tpu.memory_space<vmem>>
    %dma_start3A_54 = arith.constant 0 : i32
    %dma_start3A_55 = arith.constant 0 : i32
    %dma_start3A_56 = tpu.memref_slice %arg2[%dma_start3A_54, %dma_start3A_55] : memref<10000x128xf32, #tpu.memory_space<hbm>> -> memref<10000x128xf32, #tpu.memory_space<hbm>>
    tpu.enqueue_indirect_dma source(%dma_start3A_56 : memref<10000x128xf32, #tpu.memory_space<hbm>>) target(%arg9 : memref<80x128xf32, #tpu.memory_space<vmem>>) offsets(%dma_start3A_53 : memref<80xi32, #tpu.memory_space<vmem>>) semaphore(%arg12 : memref<!tpu.dma_semaphore, #tpu.memory_space<semaphore_mem>>)
    %barrier3A = arith.constant 0 : index
    tpu.barrier barrier_id(%barrier3A)
    %scan3A_57 = arith.constant 0 : i32
    %scan3A_58 = arith.constant 61 : i32
    %scan3A_59 = arith.addi %scan3A_57, %scan3A_58 : i32
    %scan3A_60 = arith.constant 1 : i32
    scf.for %scan3A_130 = %scan3A_57 to %scan3A_59 step %scan3A_60  : i32 {
      %mul3A_131 = arith.constant 2 : i32
      %mul3A_132 = arith.muli %scan3A_130, %mul3A_131 : i32
      %add3A_133 = arith.constant 0 : i32
      %add3A_134 = arith.addi %add3A_133, %mul3A_132 : i32
      %mul3A_135 = arith.constant 80 : i32
      %mul3A_136 = arith.muli %add3A_134, %mul3A_135 : i32
      %dma_wait3A_137 = tpu.memref_slice %arg6[%mul3A_136] : memref<10000xi32, #tpu.memory_space<vmem>> -> memref<80xi32, #tpu.memory_space<vmem>>
      %dma_wait3A_138 = arith.constant 0 : i32
      %dma_wait3A_139 = arith.constant 0 : i32
      %dma_wait3A_140 = tpu.memref_slice %arg2[%dma_wait3A_138, %dma_wait3A_139] : memref<10000x128xf32, #tpu.memory_space<hbm>> -> memref<10000x128xf32, #tpu.memory_space<hbm>>
      tpu.wait_indirect_dma semaphore(%arg11 : memref<!tpu.dma_semaphore, #tpu.memory_space<semaphore_mem>>) src(%dma_wait3A_140 : memref<10000x128xf32, #tpu.memory_space<hbm>>) dst(%arg8 : memref<80x128xf32, #tpu.memory_space<vmem>>)
      %dma_start3A_141 = arith.constant 0 : i32
      %dma_start3A_142 = tpu.memref_slice %arg7[%add3A_134, %dma_start3A_141] : memref<125x80xi32, #tpu.memory_space<vmem>> -> memref<1x80xi32, #tpu.memory_space<vmem>>
      %dma_start3A_143 = tpu.memref_squeeze %dma_start3A_142 : memref<1x80xi32, #tpu.memory_space<vmem>> -> memref<80xi32, #tpu.memory_space<vmem>>
      %dma_start3A_144 = arith.constant 0 : i32
      %dma_start3A_145 = arith.constant 0 : i32
      %dma_start3A_146 = tpu.memref_slice %arg10[%dma_start3A_144, %dma_start3A_145] : memref<10000x128xf32, #tpu.memory_space<vmem_shared>> -> memref<10000x128xf32, #tpu.memory_space<vmem_shared>>
      tpu.enqueue_indirect_dma source(%arg8 : memref<80x128xf32, #tpu.memory_space<vmem>>) target(%dma_start3A_146 : memref<10000x128xf32, #tpu.memory_space<vmem_shared>>) offsets(%dma_start3A_143 : memref<80xi32, #tpu.memory_space<vmem>>) semaphore(%arg13 : memref<!tpu.dma_semaphore, #tpu.memory_space<semaphore_mem>>) {add = true}
      %add3A_147 = arith.constant 1 : i32
      %add3A_148 = arith.addi %add3A_134, %add3A_147 : i32
      %mul3A_149 = arith.constant 80 : i32
      %mul3A_150 = arith.muli %add3A_148, %mul3A_149 : i32
      %dma_wait3A_151 = tpu.memref_slice %arg6[%mul3A_150] : memref<10000xi32, #tpu.memory_space<vmem>> -> memref<80xi32, #tpu.memory_space<vmem>>
      %dma_wait3A_152 = arith.constant 0 : i32
      %dma_wait3A_153 = arith.constant 0 : i32
      %dma_wait3A_154 = tpu.memref_slice %arg2[%dma_wait3A_152, %dma_wait3A_153] : memref<10000x128xf32, #tpu.memory_space<hbm>> -> memref<10000x128xf32, #tpu.memory_space<hbm>>
      tpu.wait_indirect_dma semaphore(%arg12 : memref<!tpu.dma_semaphore, #tpu.memory_space<semaphore_mem>>) src(%dma_wait3A_154 : memref<10000x128xf32, #tpu.memory_space<hbm>>) dst(%arg9 : memref<80x128xf32, #tpu.memory_space<vmem>>)
      %add3A_155 = arith.constant 1 : i32
      %add3A_156 = arith.addi %add3A_134, %add3A_155 : i32
      %dma_start3A_157 = arith.constant 0 : i32
      %dma_start3A_158 = tpu.memref_slice %arg7[%add3A_156, %dma_start3A_157] : memref<125x80xi32, #tpu.memory_space<vmem>> -> memref<1x80xi32, #tpu.memory_space<vmem>>
      %dma_start3A_159 = tpu.memref_squeeze %dma_start3A_158 : memref<1x80xi32, #tpu.memory_space<vmem>> -> memref<80xi32, #tpu.memory_space<vmem>>
      %dma_start3A_160 = arith.constant 0 : i32
      %dma_start3A_161 = arith.constant 0 : i32
      %dma_start3A_162 = tpu.memref_slice %arg10[%dma_start3A_160, %dma_start3A_161] : memref<10000x128xf32, #tpu.memory_space<vmem_shared>> -> memref<10000x128xf32, #tpu.memory_space<vmem_shared>>
      tpu.enqueue_indirect_dma source(%arg9 : memref<80x128xf32, #tpu.memory_space<vmem>>) target(%dma_start3A_162 : memref<10000x128xf32, #tpu.memory_space<vmem_shared>>) offsets(%dma_start3A_159 : memref<80xi32, #tpu.memory_space<vmem>>) semaphore(%arg14 : memref<!tpu.dma_semaphore, #tpu.memory_space<semaphore_mem>>) {add = true}
      %dma_wait3A_163 = arith.constant 0 : i32
      %dma_wait3A_164 = tpu.memref_slice %arg7[%add3A_134, %dma_wait3A_163] : memref<125x80xi32, #tpu.memory_space<vmem>> -> memref<1x80xi32, #tpu.memory_space<vmem>>
      %dma_wait3A_165 = tpu.memref_squeeze %dma_wait3A_164 : memref<1x80xi32, #tpu.memory_space<vmem>> -> memref<80xi32, #tpu.memory_space<vmem>>
      %dma_wait3A_166 = arith.constant 0 : i32
      %dma_wait3A_167 = arith.constant 0 : i32
      %dma_wait3A_168 = tpu.memref_slice %arg10[%dma_wait3A_166, %dma_wait3A_167] : memref<10000x128xf32, #tpu.memory_space<vmem_shared>> -> memref<10000x128xf32, #tpu.memory_space<vmem_shared>>
      tpu.wait_indirect_dma semaphore(%arg13 : memref<!tpu.dma_semaphore, #tpu.memory_space<semaphore_mem>>) src(%arg8 : memref<80x128xf32, #tpu.memory_space<vmem>>) dst(%dma_wait3A_168 : memref<10000x128xf32, #tpu.memory_space<vmem_shared>>)
      %add3A_169 = arith.constant 2 : i32
      %add3A_170 = arith.addi %add3A_134, %add3A_169 : i32
      %mul3A_171 = arith.constant 80 : i32
      %mul3A_172 = arith.muli %add3A_170, %mul3A_171 : i32
      %dma_start3A_173 = tpu.memref_slice %arg6[%mul3A_172] : memref<10000xi32, #tpu.memory_space<vmem>> -> memref<80xi32, #tpu.memory_space<vmem>>
      %dma_start3A_174 = arith.constant 0 : i32
      %dma_start3A_175 = arith.constant 0 : i32
      %dma_start3A_176 = tpu.memref_slice %arg2[%dma_start3A_174, %dma_start3A_175] : memref<10000x128xf32, #tpu.memory_space<hbm>> -> memref<10000x128xf32, #tpu.memory_space<hbm>>
      tpu.enqueue_indirect_dma source(%dma_start3A_176 : memref<10000x128xf32, #tpu.memory_space<hbm>>) target(%arg8 : memref<80x128xf32, #tpu.memory_space<vmem>>) offsets(%dma_start3A_173 : memref<80xi32, #tpu.memory_space<vmem>>) semaphore(%arg11 : memref<!tpu.dma_semaphore, #tpu.memory_space<semaphore_mem>>)
      %add3A_177 = arith.constant 1 : i32
      %add3A_178 = arith.addi %add3A_134, %add3A_177 : i32
      %dma_wait3A_179 = arith.constant 0 : i32
      %dma_wait3A_180 = tpu.memref_slice %arg7[%add3A_178, %dma_wait3A_179] : memref<125x80xi32, #tpu.memory_space<vmem>> -> memref<1x80xi32, #tpu.memory_space<vmem>>
      %dma_wait3A_181 = tpu.memref_squeeze %dma_wait3A_180 : memref<1x80xi32, #tpu.memory_space<vmem>> -> memref<80xi32, #tpu.memory_space<vmem>>
      %dma_wait3A_182 = arith.constant 0 : i32
      %dma_wait3A_183 = arith.constant 0 : i32
      %dma_wait3A_184 = tpu.memref_slice %arg10[%dma_wait3A_182, %dma_wait3A_183] : memref<10000x128xf32, #tpu.memory_space<vmem_shared>> -> memref<10000x128xf32, #tpu.memory_space<vmem_shared>>
      tpu.wait_indirect_dma semaphore(%arg14 : memref<!tpu.dma_semaphore, #tpu.memory_space<semaphore_mem>>) src(%arg9 : memref<80x128xf32, #tpu.memory_space<vmem>>) dst(%dma_wait3A_184 : memref<10000x128xf32, #tpu.memory_space<vmem_shared>>)
      %add3A_185 = arith.constant 3 : i32
      %add3A_186 = arith.addi %add3A_134, %add3A_185 : i32
      %mul3A_187 = arith.constant 80 : i32
      %mul3A_188 = arith.muli %add3A_186, %mul3A_187 : i32
      %dma_start3A_189 = tpu.memref_slice %arg6[%mul3A_188] : memref<10000xi32, #tpu.memory_space<vmem>> -> memref<80xi32, #tpu.memory_space<vmem>>
      %dma_start3A_190 = arith.constant 0 : i32
      %dma_start3A_191 = arith.constant 0 : i32
      %dma_start3A_192 = tpu.memref_slice %arg2[%dma_start3A_190, %dma_start3A_191] : memref<10000x128xf32, #tpu.memory_space<hbm>> -> memref<10000x128xf32, #tpu.memory_space<hbm>>
      tpu.enqueue_indirect_dma source(%dma_start3A_192 : memref<10000x128xf32, #tpu.memory_space<hbm>>) target(%arg9 : memref<80x128xf32, #tpu.memory_space<vmem>>) offsets(%dma_start3A_189 : memref<80xi32, #tpu.memory_space<vmem>>) semaphore(%arg12 : memref<!tpu.dma_semaphore, #tpu.memory_space<semaphore_mem>>)
    }
    %scan3A_61 = arith.constant 61 : i32
    %dma_wait3A_62 = arith.constant 9760 : i32
    %dma_wait3A_63 = tpu.memref_slice %arg6[%dma_wait3A_62] : memref<10000xi32, #tpu.memory_space<vmem>> -> memref<80xi32, #tpu.memory_space<vmem>>
    %dma_wait3A_64 = arith.constant 0 : i32
    %dma_wait3A_65 = arith.constant 0 : i32
    %dma_wait3A_66 = tpu.memref_slice %arg2[%dma_wait3A_64, %dma_wait3A_65] : memref<10000x128xf32, #tpu.memory_space<hbm>> -> memref<10000x128xf32, #tpu.memory_space<hbm>>
    tpu.wait_indirect_dma semaphore(%arg11 : memref<!tpu.dma_semaphore, #tpu.memory_space<semaphore_mem>>) src(%dma_wait3A_66 : memref<10000x128xf32, #tpu.memory_space<hbm>>) dst(%arg8 : memref<80x128xf32, #tpu.memory_space<vmem>>)
    %dma_start3A_67 = arith.constant 122 : i32
    %dma_start3A_68 = arith.constant 0 : i32
    %dma_start3A_69 = tpu.memref_slice %arg7[%dma_start3A_67, %dma_start3A_68] : memref<125x80xi32, #tpu.memory_space<vmem>> -> memref<1x80xi32, #tpu.memory_space<vmem>>
    %dma_start3A_70 = tpu.memref_squeeze %dma_start3A_69 : memref<1x80xi32, #tpu.memory_space<vmem>> -> memref<80xi32, #tpu.memory_space<vmem>>
    %dma_start3A_71 = arith.constant 0 : i32
    %dma_start3A_72 = arith.constant 0 : i32
    %dma_start3A_73 = tpu.memref_slice %arg10[%dma_start3A_71, %dma_start3A_72] : memref<10000x128xf32, #tpu.memory_space<vmem_shared>> -> memref<10000x128xf32, #tpu.memory_space<vmem_shared>>
    tpu.enqueue_indirect_dma source(%arg8 : memref<80x128xf32, #tpu.memory_space<vmem>>) target(%dma_start3A_73 : memref<10000x128xf32, #tpu.memory_space<vmem_shared>>) offsets(%dma_start3A_70 : memref<80xi32, #tpu.memory_space<vmem>>) semaphore(%arg13 : memref<!tpu.dma_semaphore, #tpu.memory_space<semaphore_mem>>) {add = true}
    %dma_wait3A_74 = arith.constant 9840 : i32
    %dma_wait3A_75 = tpu.memref_slice %arg6[%dma_wait3A_74] : memref<10000xi32, #tpu.memory_space<vmem>> -> memref<80xi32, #tpu.memory_space<vmem>>
    %dma_wait3A_76 = arith.constant 0 : i32
    %dma_wait3A_77 = arith.constant 0 : i32
    %dma_wait3A_78 = tpu.memref_slice %arg2[%dma_wait3A_76, %dma_wait3A_77] : memref<10000x128xf32, #tpu.memory_space<hbm>> -> memref<10000x128xf32, #tpu.memory_space<hbm>>
    tpu.wait_indirect_dma semaphore(%arg12 : memref<!tpu.dma_semaphore, #tpu.memory_space<semaphore_mem>>) src(%dma_wait3A_78 : memref<10000x128xf32, #tpu.memory_space<hbm>>) dst(%arg9 : memref<80x128xf32, #tpu.memory_space<vmem>>)
    %dma_start3A_79 = arith.constant 123 : i32
    %dma_start3A_80 = arith.constant 0 : i32
    %dma_start3A_81 = tpu.memref_slice %arg7[%dma_start3A_79, %dma_start3A_80] : memref<125x80xi32, #tpu.memory_space<vmem>> -> memref<1x80xi32, #tpu.memory_space<vmem>>
    %dma_start3A_82 = tpu.memref_squeeze %dma_start3A_81 : memref<1x80xi32, #tpu.memory_space<vmem>> -> memref<80xi32, #tpu.memory_space<vmem>>
    %dma_start3A_83 = arith.constant 0 : i32
    %dma_start3A_84 = arith.constant 0 : i32
    %dma_start3A_85 = tpu.memref_slice %arg10[%dma_start3A_83, %dma_start3A_84] : memref<10000x128xf32, #tpu.memory_space<vmem_shared>> -> memref<10000x128xf32, #tpu.memory_space<vmem_shared>>
    tpu.enqueue_indirect_dma source(%arg9 : memref<80x128xf32, #tpu.memory_space<vmem>>) target(%dma_start3A_85 : memref<10000x128xf32, #tpu.memory_space<vmem_shared>>) offsets(%dma_start3A_82 : memref<80xi32, #tpu.memory_space<vmem>>) semaphore(%arg14 : memref<!tpu.dma_semaphore, #tpu.memory_space<semaphore_mem>>) {add = true}
    %dma_wait3A_86 = arith.constant 122 : i32
    %dma_wait3A_87 = arith.constant 0 : i32
    %dma_wait3A_88 = tpu.memref_slice %arg7[%dma_wait3A_86, %dma_wait3A_87] : memref<125x80xi32, #tpu.memory_space<vmem>> -> memref<1x80xi32, #tpu.memory_space<vmem>>
    %dma_wait3A_89 = tpu.memref_squeeze %dma_wait3A_88 : memref<1x80xi32, #tpu.memory_space<vmem>> -> memref<80xi32, #tpu.memory_space<vmem>>
    %dma_wait3A_90 = arith.constant 0 : i32
    %dma_wait3A_91 = arith.constant 0 : i32
    %dma_wait3A_92 = tpu.memref_slice %arg10[%dma_wait3A_90, %dma_wait3A_91] : memref<10000x128xf32, #tpu.memory_space<vmem_shared>> -> memref<10000x128xf32, #tpu.memory_space<vmem_shared>>
    tpu.wait_indirect_dma semaphore(%arg13 : memref<!tpu.dma_semaphore, #tpu.memory_space<semaphore_mem>>) src(%arg8 : memref<80x128xf32, #tpu.memory_space<vmem>>) dst(%dma_wait3A_92 : memref<10000x128xf32, #tpu.memory_space<vmem_shared>>)
    %dma_start3A_93 = arith.constant 9920 : i32
    %dma_start3A_94 = tpu.memref_slice %arg6[%dma_start3A_93] : memref<10000xi32, #tpu.memory_space<vmem>> -> memref<80xi32, #tpu.memory_space<vmem>>
    %dma_start3A_95 = arith.constant 0 : i32
    %dma_start3A_96 = arith.constant 0 : i32
    %dma_start3A_97 = tpu.memref_slice %arg2[%dma_start3A_95, %dma_start3A_96] : memref<10000x128xf32, #tpu.memory_space<hbm>> -> memref<10000x128xf32, #tpu.memory_space<hbm>>
    tpu.enqueue_indirect_dma source(%dma_start3A_97 : memref<10000x128xf32, #tpu.memory_space<hbm>>) target(%arg8 : memref<80x128xf32, #tpu.memory_space<vmem>>) offsets(%dma_start3A_94 : memref<80xi32, #tpu.memory_space<vmem>>) semaphore(%arg11 : memref<!tpu.dma_semaphore, #tpu.memory_space<semaphore_mem>>)
    %dma_wait3A_98 = arith.constant 9920 : i32
    %dma_wait3A_99 = tpu.memref_slice %arg6[%dma_wait3A_98] : memref<10000xi32, #tpu.memory_space<vmem>> -> memref<80xi32, #tpu.memory_space<vmem>>
    %dma_wait3A_100 = arith.constant 0 : i32
    %dma_wait3A_101 = arith.constant 0 : i32
    %dma_wait3A_102 = tpu.memref_slice %arg2[%dma_wait3A_100, %dma_wait3A_101] : memref<10000x128xf32, #tpu.memory_space<hbm>> -> memref<10000x128xf32, #tpu.memory_space<hbm>>
    tpu.wait_indirect_dma semaphore(%arg11 : memref<!tpu.dma_semaphore, #tpu.memory_space<semaphore_mem>>) src(%dma_wait3A_102 : memref<10000x128xf32, #tpu.memory_space<hbm>>) dst(%arg8 : memref<80x128xf32, #tpu.memory_space<vmem>>)
    %dma_start3A_103 = arith.constant 124 : i32
    %dma_start3A_104 = arith.constant 0 : i32
    %dma_start3A_105 = tpu.memref_slice %arg7[%dma_start3A_103, %dma_start3A_104] : memref<125x80xi32, #tpu.memory_space<vmem>> -> memref<1x80xi32, #tpu.memory_space<vmem>>
    %dma_start3A_106 = tpu.memref_squeeze %dma_start3A_105 : memref<1x80xi32, #tpu.memory_space<vmem>> -> memref<80xi32, #tpu.memory_space<vmem>>
    %dma_start3A_107 = arith.constant 0 : i32
    %dma_start3A_108 = arith.constant 0 : i32
    %dma_start3A_109 = tpu.memref_slice %arg10[%dma_start3A_107, %dma_start3A_108] : memref<10000x128xf32, #tpu.memory_space<vmem_shared>> -> memref<10000x128xf32, #tpu.memory_space<vmem_shared>>
    tpu.enqueue_indirect_dma source(%arg8 : memref<80x128xf32, #tpu.memory_space<vmem>>) target(%dma_start3A_109 : memref<10000x128xf32, #tpu.memory_space<vmem_shared>>) offsets(%dma_start3A_106 : memref<80xi32, #tpu.memory_space<vmem>>) semaphore(%arg13 : memref<!tpu.dma_semaphore, #tpu.memory_space<semaphore_mem>>) {add = true}
    %dma_wait3A_110 = arith.constant 123 : i32
    %dma_wait3A_111 = arith.constant 0 : i32
    %dma_wait3A_112 = tpu.memref_slice %arg7[%dma_wait3A_110, %dma_wait3A_111] : memref<125x80xi32, #tpu.memory_space<vmem>> -> memref<1x80xi32, #tpu.memory_space<vmem>>
    %dma_wait3A_113 = tpu.memref_squeeze %dma_wait3A_112 : memref<1x80xi32, #tpu.memory_space<vmem>> -> memref<80xi32, #tpu.memory_space<vmem>>
    %dma_wait3A_114 = arith.constant 0 : i32
    %dma_wait3A_115 = arith.constant 0 : i32
    %dma_wait3A_116 = tpu.memref_slice %arg10[%dma_wait3A_114, %dma_wait3A_115] : memref<10000x128xf32, #tpu.memory_space<vmem_shared>> -> memref<10000x128xf32, #tpu.memory_space<vmem_shared>>
    tpu.wait_indirect_dma semaphore(%arg14 : memref<!tpu.dma_semaphore, #tpu.memory_space<semaphore_mem>>) src(%arg9 : memref<80x128xf32, #tpu.memory_space<vmem>>) dst(%dma_wait3A_116 : memref<10000x128xf32, #tpu.memory_space<vmem_shared>>)
    %dma_wait3A_117 = arith.constant 124 : i32
    %dma_wait3A_118 = arith.constant 0 : i32
    %dma_wait3A_119 = tpu.memref_slice %arg7[%dma_wait3A_117, %dma_wait3A_118] : memref<125x80xi32, #tpu.memory_space<vmem>> -> memref<1x80xi32, #tpu.memory_space<vmem>>
    %dma_wait3A_120 = tpu.memref_squeeze %dma_wait3A_119 : memref<1x80xi32, #tpu.memory_space<vmem>> -> memref<80xi32, #tpu.memory_space<vmem>>
    %dma_wait3A_121 = arith.constant 0 : i32
    %dma_wait3A_122 = arith.constant 0 : i32
    %dma_wait3A_123 = tpu.memref_slice %arg10[%dma_wait3A_121, %dma_wait3A_122] : memref<10000x128xf32, #tpu.memory_space<vmem_shared>> -> memref<10000x128xf32, #tpu.memory_space<vmem_shared>>
    tpu.wait_indirect_dma semaphore(%arg13 : memref<!tpu.dma_semaphore, #tpu.memory_space<semaphore_mem>>) src(%arg8 : memref<80x128xf32, #tpu.memory_space<vmem>>) dst(%dma_wait3A_123 : memref<10000x128xf32, #tpu.memory_space<vmem_shared>>)
    %barrier3A_124 = arith.constant 0 : index
    tpu.barrier barrier_id(%barrier3A_124)
    "tpu.region"() ({
      %run_scoped3A = tpu.sem_alloc : memref<!tpu.dma_semaphore, #tpu.memory_space<semaphore_mem>>
      %dma_start3A_130 = arith.constant 0 : i32
      %dma_start3A_131 = tpu.memref_slice %arg5[%arg0, %mul3A_20, %dma_start3A_130] : memref<2x10000x128xf32, #tpu.memory_space<hbm>> -> memref<1x624x128xf32, #tpu.memory_space<hbm>>
      %dma_start3A_132 = tpu.memref_squeeze %dma_start3A_131 : memref<1x624x128xf32, #tpu.memory_space<hbm>> -> memref<624x128xf32, #tpu.memory_space<hbm>>
      %dma_start3A_133 = arith.constant 0 : i32
      %dma_start3A_134 = tpu.memref_slice %arg10[%mul3A_20, %dma_start3A_133] : memref<10000x128xf32, #tpu.memory_space<vmem_shared>> -> memref<624x128xf32, #tpu.memory_space<vmem_shared>>
      tpu.enqueue_dma source(%dma_start3A_134 : memref<624x128xf32, #tpu.memory_space<vmem_shared>>) target(%dma_start3A_132 : memref<624x128xf32, #tpu.memory_space<hbm>>) target_semaphore(%run_scoped3A : memref<!tpu.dma_semaphore, #tpu.memory_space<semaphore_mem>>)
      %dma_wait3A_135 = arith.constant 0 : i32
      %dma_wait3A_136 = tpu.memref_slice %arg5[%arg0, %mul3A_20, %dma_wait3A_135] : memref<2x10000x128xf32, #tpu.memory_space<hbm>> -> memref<1x624x128xf32, #tpu.memory_space<hbm>>
      %dma_wait3A_137 = tpu.memref_squeeze %dma_wait3A_136 : memref<1x624x128xf32, #tpu.memory_space<hbm>> -> memref<624x128xf32, #tpu.memory_space<hbm>>
      %dma_wait3A_138 = arith.constant 0 : i32
      %dma_wait3A_139 = tpu.memref_slice %arg10[%mul3A_20, %dma_wait3A_138] : memref<10000x128xf32, #tpu.memory_space<vmem_shared>> -> memref<624x128xf32, #tpu.memory_space<vmem_shared>>
      tpu.wait_dma2 semaphore(%run_scoped3A : memref<!tpu.dma_semaphore, #tpu.memory_space<semaphore_mem>>) src(%dma_wait3A_139 : memref<624x128xf32, #tpu.memory_space<vmem_shared>>) dst(%dma_wait3A_137 : memref<624x128xf32, #tpu.memory_space<hbm>>)
      tpu.yield
    }) : () -> ()
    %eq3A_125 = arith.constant 15 : i32
    %eq3A_126 = arith.cmpi eq, %arg1, %eq3A_125 : i32
    %convert_element_type3A_127 = arith.extui %eq3A_126 : i1 to i32
    %cond3A_128 = arith.constant 0 : i32
    %cond3A_129 = arith.cmpi ne, %convert_element_type3A_127, %cond3A_128 : i32
    scf.if %cond3A_129 {
      "tpu.region"() ({
        %run_scoped3A = tpu.sem_alloc : memref<!tpu.dma_semaphore, #tpu.memory_space<semaphore_mem>>
        %dma_start3A_130 = arith.constant 9984 : i32
        %dma_start3A_131 = arith.constant 0 : i32
        %dma_start3A_132 = tpu.memref_slice %arg5[%arg0, %dma_start3A_130, %dma_start3A_131] : memref<2x10000x128xf32, #tpu.memory_space<hbm>> -> memref<1x16x128xf32, #tpu.memory_space<hbm>>
        %dma_start3A_133 = tpu.memref_squeeze %dma_start3A_132 : memref<1x16x128xf32, #tpu.memory_space<hbm>> -> memref<16x128xf32, #tpu.memory_space<hbm>>
        %dma_start3A_134 = arith.constant 9984 : i32
        %dma_start3A_135 = arith.constant 0 : i32
        %dma_start3A_136 = tpu.memref_slice %arg10[%dma_start3A_134, %dma_start3A_135] : memref<10000x128xf32, #tpu.memory_space<vmem_shared>> -> memref<16x128xf32, #tpu.memory_space<vmem_shared>>
        tpu.enqueue_dma source(%dma_start3A_136 : memref<16x128xf32, #tpu.memory_space<vmem_shared>>) target(%dma_start3A_133 : memref<16x128xf32, #tpu.memory_space<hbm>>) target_semaphore(%run_scoped3A : memref<!tpu.dma_semaphore, #tpu.memory_space<semaphore_mem>>)
        %dma_wait3A_137 = arith.constant 9984 : i32
        %dma_wait3A_138 = arith.constant 0 : i32
        %dma_wait3A_139 = tpu.memref_slice %arg5[%arg0, %dma_wait3A_137, %dma_wait3A_138] : memref<2x10000x128xf32, #tpu.memory_space<hbm>> -> memref<1x16x128xf32, #tpu.memory_space<hbm>>
        %dma_wait3A_140 = tpu.memref_squeeze %dma_wait3A_139 : memref<1x16x128xf32, #tpu.memory_space<hbm>> -> memref<16x128xf32, #tpu.memory_space<hbm>>
        %dma_wait3A_141 = arith.constant 9984 : i32
        %dma_wait3A_142 = arith.constant 0 : i32
        %dma_wait3A_143 = tpu.memref_slice %arg10[%dma_wait3A_141, %dma_wait3A_142] : memref<10000x128xf32, #tpu.memory_space<vmem_shared>> -> memref<16x128xf32, #tpu.memory_space<vmem_shared>>
        tpu.wait_dma2 semaphore(%run_scoped3A : memref<!tpu.dma_semaphore, #tpu.memory_space<semaphore_mem>>) src(%dma_wait3A_143 : memref<16x128xf32, #tpu.memory_space<vmem_shared>>) dst(%dma_wait3A_140 : memref<16x128xf32, #tpu.memory_space<hbm>>)
        tpu.yield
      }) : () -> ()
    } else {
    }
    return
  }
}

module attributes {stable_mosaic.version = 14 : i64} {
  func.func @body(%arg0: i32, %arg1: memref<1000x128xf32, #tpu.memory_space<vmem>>, %arg2: memref<128x128xf32, #tpu.memory_space<vmem>>, %arg3: memref<1000x2xf32, #tpu.memory_space<vmem>>, %arg4: memref<1000x128xf32, #tpu.memory_space<vmem>>) attributes {dimension_semantics = [#tpu.dimension_semantics<arbitrary>], iteration_bounds = array<i64: 10>, scalar_prefetch = 0 : i64, scratch_operands = 0 : i64, tpu.core_type = #tpu.core_type<tc>, window_params = [{transform_indices = @transform_0, window_bounds = array<i64: 1000, 128>}, {pipeline_mode = #tpu.pipeline_mode<synchronous>, transform_indices = @transform_1, window_bounds = array<i64: 128, 128>}, {transform_indices = @transform_2, window_bounds = array<i64: 1000, 2>}, {transform_indices = @transform_3, window_bounds = array<i64: 1000, 128>}]} {
    %get3A = arith.constant 0 : index
    %get3A_0 = arith.constant 0 : index
    %get3A_1 = vector.load %arg3[%get3A, %get3A_0] : memref<1000x2xf32, #tpu.memory_space<vmem>>, vector<1000x1xf32>
    %get3A_2 = arith.constant 0 : index
    %get3A_3 = arith.constant 1 : index
    %get3A_4 = vector.load %arg3[%get3A_2, %get3A_3] : memref<1000x2xf32, #tpu.memory_space<vmem>>, vector<1000x1xf32>
    %add3A = arith.addf %get3A_1, %get3A_4 : vector<1000x1xf32>
    %add3A_5 = arith.constant 1.000000e+00 : f32
    %add3A_6 = vector.broadcast %add3A_5 : f32 to vector<1000x1xf32>
    %add3A_7 = arith.addf %add3A, %add3A_6 : vector<1000x1xf32>
    %get3A_8 = arith.constant 0 : index
    %get3A_9 = arith.constant 0 : index
    %get3A_10 = vector.load %arg1[%get3A_8, %get3A_9] : memref<1000x128xf32, #tpu.memory_space<vmem>>, vector<1000x128xf32>
    %rsqrt3A = math.rsqrt %add3A_7 : vector<1000x1xf32>
    %mul3A = vector.broadcast %rsqrt3A : vector<1000x1xf32> to vector<1000x128xf32>
    %mul3A_11 = arith.mulf %get3A_10, %mul3A : vector<1000x128xf32>
    %get3A_12 = arith.constant 0 : index
    %get3A_13 = arith.constant 0 : index
    %get3A_14 = vector.load %arg2[%get3A_12, %get3A_13] : memref<128x128xf32, #tpu.memory_space<vmem>>, vector<128x128xf32>
    %dot_general3A = arith.constant dense<0.000000e+00> : vector<1000x128xf32>
    %dot_general3A_15 = tpu.matmul %mul3A_11, %get3A_14, %dot_general3A {dimension_numbers = #tpu.dot_dimension_numbers<[1], [0], [0], [1], [0, 0, 1, 1], [], []>, transpose_lhs_hint = false} : vector<1000x128xf32>, vector<128x128xf32>, vector<1000x128xf32> -> vector<1000x128xf32>
    %swap3A = arith.constant 0 : index
    %swap3A_16 = arith.constant 0 : index
    %swap3A_17 = vector.load %arg4[%swap3A, %swap3A_16] : memref<1000x128xf32, #tpu.memory_space<vmem>>, vector<1000x128xf32>
    tpu.vector_store %arg4[%swap3A, %swap3A_16], %dot_general3A_15 {strides = array<i32>} : memref<1000x128xf32, #tpu.memory_space<vmem>>, vector<1000x128xf32>,
    return
  }
  func.func @transform_0(%arg0: i32) -> (i32, i32) {
    %c0_i32 = arith.constant 0 : i32
    %c0_i32_0 = arith.constant 0 : i32
    return %arg0, %c0_i32 : i32, i32
  }
  func.func @transform_1(%arg0: i32) -> (i32, i32) {
    %c0_i32 = arith.constant 0 : i32
    %c0_i32_0 = arith.constant 0 : i32
    %c0_i32_1 = arith.constant 0 : i32
    return %c0_i32, %c0_i32_0 : i32, i32
  }
  func.func @transform_2(%arg0: i32) -> (i32, i32) {
    %c0_i32 = arith.constant 0 : i32
    %c0_i32_0 = arith.constant 0 : i32
    return %arg0, %c0_i32 : i32, i32
  }
  func.func @transform_3(%arg0: i32) -> (i32, i32) {
    %c0_i32 = arith.constant 0 : i32
    %c0_i32_0 = arith.constant 0 : i32
    return %arg0, %c0_i32 : i32, i32
  }
}

module attributes {stable_mosaic.version = 14 : i64} {
  func.func @body(%arg0: i32, %arg1: memref<2x1000x128xf32, #tpu.memory_space<vmem>>, %arg2: memref<1000x128xf32, #tpu.memory_space<vmem>>, %arg3: memref<1000x2xf32, #tpu.memory_space<vmem>>, %arg4: memref<1x128xf32, #tpu.memory_space<vmem>>, %arg5: memref<1000x128xf32, #tpu.memory_space<vmem>>) attributes {dimension_semantics = [#tpu.dimension_semantics<arbitrary>], iteration_bounds = array<i64: 10>, scalar_prefetch = 0 : i64, scratch_operands = 0 : i64, tpu.core_type = #tpu.core_type<tc>, window_params = [{transform_indices = @transform_0, window_bounds = array<i64: 2, 1000, 128>}, {transform_indices = @transform_1, window_bounds = array<i64: 1000, 128>}, {transform_indices = @transform_2, window_bounds = array<i64: 1000, 2>}, {pipeline_mode = #tpu.pipeline_mode<synchronous>, transform_indices = @transform_3, window_bounds = array<i64: 1, 128>}, {transform_indices = @transform_4, window_bounds = array<i64: 1000, 128>}]} {
    %get3A = arith.constant 0 : index
    %get3A_0 = arith.constant 0 : index
    %get3A_1 = vector.load %arg3[%get3A, %get3A_0] : memref<1000x2xf32, #tpu.memory_space<vmem>>, vector<1000x1xf32>
    %get3A_2 = arith.constant 0 : index
    %get3A_3 = arith.constant 1 : index
    %get3A_4 = vector.load %arg3[%get3A_2, %get3A_3] : memref<1000x2xf32, #tpu.memory_space<vmem>>, vector<1000x1xf32>
    %add3A = arith.addf %get3A_1, %get3A_4 : vector<1000x1xf32>
    %add3A_5 = arith.constant 1.000000e+00 : f32
    %add3A_6 = vector.broadcast %add3A_5 : f32 to vector<1000x1xf32>
    %add3A_7 = arith.addf %add3A, %add3A_6 : vector<1000x1xf32>
    %rsqrt3A = math.rsqrt %add3A_7 : vector<1000x1xf32>
    %get3A_8 = arith.constant 0 : index
    %get3A_9 = arith.constant 0 : index
    %get3A_10 = arith.constant 0 : index
    %get3A_11 = vector.load %arg1[%get3A_8, %get3A_9, %get3A_10] : memref<2x1000x128xf32, #tpu.memory_space<vmem>>, vector<1x1000x128xf32>
    %get3A_12 = vector.shape_cast %get3A_11 : vector<1x1000x128xf32> to vector<1000x128xf32>
    %get3A_13 = arith.constant 1 : index
    %get3A_14 = arith.constant 0 : index
    %get3A_15 = arith.constant 0 : index
    %get3A_16 = vector.load %arg1[%get3A_13, %get3A_14, %get3A_15] : memref<2x1000x128xf32, #tpu.memory_space<vmem>>, vector<1x1000x128xf32>
    %get3A_17 = vector.shape_cast %get3A_16 : vector<1x1000x128xf32> to vector<1000x128xf32>
    %add3A_18 = arith.addf %get3A_12, %get3A_17 : vector<1000x128xf32>
    %get3A_19 = arith.constant 0 : index
    %get3A_20 = arith.constant 0 : index
    %get3A_21 = vector.load %arg2[%get3A_19, %get3A_20] : memref<1000x128xf32, #tpu.memory_space<vmem>>, vector<1000x128xf32>
    %add3A_22 = arith.addf %add3A_18, %get3A_21 : vector<1000x128xf32>
    %mul3A = vector.broadcast %rsqrt3A : vector<1000x1xf32> to vector<1000x128xf32>
    %mul3A_23 = arith.mulf %add3A_22, %mul3A : vector<1000x128xf32>
    %get3A_24 = arith.constant 0 : index
    %get3A_25 = arith.constant 0 : index
    %get3A_26 = vector.load %arg4[%get3A_24, %get3A_25] : memref<1x128xf32, #tpu.memory_space<vmem>>, vector<1x128xf32>
    %add3A_27 = vector.broadcast %get3A_26 : vector<1x128xf32> to vector<1000x128xf32>
    %add3A_28 = arith.addf %mul3A_23, %add3A_27 : vector<1000x128xf32>
    %swap3A = arith.constant 0 : index
    %swap3A_29 = arith.constant 0 : index
    %swap3A_30 = vector.load %arg5[%swap3A, %swap3A_29] : memref<1000x128xf32, #tpu.memory_space<vmem>>, vector<1000x128xf32>
    tpu.vector_store %arg5[%swap3A, %swap3A_29], %add3A_28 {strides = array<i32>} : memref<1000x128xf32, #tpu.memory_space<vmem>>, vector<1000x128xf32>,
    return
  }
  func.func @transform_0(%arg0: i32) -> (i32, i32, i32) {
    %c0_i32 = arith.constant 0 : i32
    %c0_i32_0 = arith.constant 0 : i32
    %c0_i32_1 = arith.constant 0 : i32
    return %c0_i32, %arg0, %c0_i32_0 : i32, i32, i32
  }
  func.func @transform_1(%arg0: i32) -> (i32, i32) {
    %c0_i32 = arith.constant 0 : i32
    %c0_i32_0 = arith.constant 0 : i32
    return %arg0, %c0_i32 : i32, i32
  }
  func.func @transform_2(%arg0: i32) -> (i32, i32) {
    %c0_i32 = arith.constant 0 : i32
    %c0_i32_0 = arith.constant 0 : i32
    return %arg0, %c0_i32 : i32, i32
  }
  func.func @transform_3(%arg0: i32) -> (i32, i32) {
    %c0_i32 = arith.constant 0 : i32
    %c0_i32_0 = arith.constant 0 : i32
    %c0_i32_1 = arith.constant 0 : i32
    return %c0_i32, %c0_i32_0 : i32, i32
  }
  func.func @transform_4(%arg0: i32) -> (i32, i32) {
    %c0_i32 = arith.constant 0 : i32
    %c0_i32_0 = arith.constant 0 : i32
    return %arg0, %c0_i32 : i32, i32
  }
}

</mosaic_0001>

<sc_bundles>
// kernel: kernel.6.cloned.1.call-start
scs
__scs_entry_jumppad:
0x0: {  	(pc) =	sbr.rel $0x88, $3  }
0x1: {  	(tag) =	ssettag $0x0;
	lr =	simm.s32 $0x1  }
0x2: {  	[smem:$0x3F9D] =	sst lr;
	_ =	strace $0xD0000000  }
0x3: {  	_ = 	snop  }
0x4: {  	_ = 	snop  }
0x5: {  	_ = 	snop  }
0x6: {  	_ = 	snop  }
0x7: {  	_ = 	snop  }
__scs_overlays_trampoline_lowered:
0x8: {  	[smem:$0x3FAC] =	sst s0  }
0x9: {  	[smem:$0x3FAD] =	sst s1  }
0xa: {  	[smem:$0x3FAE] =	sst s2  }
0xb: {  	[smem:$0x3FAF] =	sst s3  }
0xc: {  	[smem:$0x3FB0] =	sst s4  }
0xd: {  	[smem:$0x3FB1] =	sst s5  }
0xe: {  	[smem:$0x3FB2] =	sst s6  }
0xf: {  	[smem:$0x3FB3] =	sst s7  }
0x10: {  	[smem:$0x3FB4] =	sst s8  }
0x11: {  	[smem:$0x3FB5] =	sst s9;
	s0 =	simm.s32 @!p0 $0x0  }
0x12: {  	s1 =	sld [smem:$0x3F9B];
	s0 =	simm.s32 @p0 $0x1  }
0x13: {  	[smem:$0x3FB6] =	sst s0;
	s0 =	simm.s32 @!p1 $0x0  }
0x14: {  	s2 =	sld [smem:$0x3F9A];
	s0 =	simm.s32 @p1 $0x1  }
0x15: {  	[smem:$0x3FB7] =	sst s0;
	s0 =	simm.s32 @!p2 $0x0  }
0x16: {  	s3 =	sld [smem:$0x3FDB];
	s0 =	simm.s32 @p2 $0x1  }
0x17: {  	s4 =	simm.s32 $0x1BF5;
	[smem:$0x3FB9] =	sst s0  }
0x18: {  	s0 =	sld [smem:$0x3F9C];
	_ =	swait.ge [sflag:s4], $0x0  }
0x19: {  	s7 =	sld [smem:$0x3F9D]  }
0x1a: {  	s8 =	sadd.s32 $0xFFFFE003, lr  }
0x1b: {  	s9 =	sadd.s32 $0xFFFFFEF7, lr;
	s5 =	simm.s32 $0xFFFFFFFF;
	p2 =	slt.u32 s8, $0xFFFFF086  }
0x1c: {  	p1 =	slt.u32 s9, $0xF7A;
	s5 =	simm.s32 @!p2 $0x0  }
0x1d: {  	s5 =	simm.s32 @p1 $0x1;
	p0 =	seq.s32 s7, s2  }
0x1e: {  	s7 =	smul.u32 @!p0 $0xF7A, s2;
	p2 =	seq.s32 @!p0 s5, $0x0  }
0x1f: {  	s9 =	smul.u32 $0xF7A, s1;
	s8 =	simm.s32 @!p0 $0x1BF5;
	p2 =	por !p2, p0  }
0x20: {  	[sflag:s8] =	ssyncset.s32 @!p0 $0xFFFFF086;
	s6 =	sadd.s32 @!p0 s3, s7;
	s7 =	simm.s32 @!p0 $0x108  }
0x21: {  	s3 =	sadd.s32 s3, s9;
	s6 =	sadd.s32 @!p0 $0x88, s6;
	s7 =	simm.s32 @p2 $0x1082  }
0x22: {  	[simem:s7], [sflag:s8] =	dma.local @!p0 [hbm:s6], $0xF7A  }
0x23: {  	s9 =	sor.u32 $0xD0000000, s2;
	s6 =	simm.s32 $0x108;
	_ =	swait.ge @!p0 [sflag:s8], $0x0  }
0x24: {  	s3 =	sadd.s32 $0x88, s3;
	s6 =	simm.s32 @!p1 $0x1082;
	[sflag:s4] =	ssyncset.s32 $0xFFFFF086  }
0x25: {  	[simem:s6], [sflag:s4] =	dma.local [hbm:s3], $0xF7A  }
0x26: {  	[smem:$0x3F9D] =	sst s1;
	(tag) =	ssettag s2;
	_ =	strace s9  }
0x27: {  	s1 =	sld [smem:$0x3FAD]  }
0x28: {  	s2 =	sld [smem:$0x3FAE]  }
0x29: {  	s4 =	sld [smem:$0x3FB0]  }
0x2a: {  	p0 =	seq.s32 s5, $0x0;
	s5 =	sld [smem:$0x3FB1]  }
0x2b: {  	s6 =	sld [smem:$0x3FB2]  }
0x2c: {  	s7 =	sld [smem:$0x3FB3]  }
0x2d: {  	s3 =	simm.s32 $0x108;
	s8 =	sld [smem:$0x3FB4]  }
0x2e: {  	s3 =	simm.s32 @!p0 $0x1082;
	s9 =	sld [smem:$0x3FB5]  }
0x2f: {  	lr =	sadd.s32 s0, s3;
	s0 =	sld [smem:$0x3FAC]  }
0x30: {  	s3 =	sld [smem:$0x3FAF]  }
0x31: {  	[smem:$0x3FB8] =	sst s10  }
0x32: {  	s10 =	sld [smem:$0x3FB6];
	_ =	sdelay $0x3  }
0x33: {  	p0 =	seq.s32 s10, $0x1;
	s10 =	sld [smem:$0x3FB8];
	_ =	sdelay $0x3  }
0x34: {  	[smem:$0x3FB8] =	sst s10  }
0x35: {  	s10 =	sld [smem:$0x3FB7];
	_ =	sdelay $0x3  }
0x36: {  	p1 =	seq.s32 s10, $0x1;
	s10 =	sld [smem:$0x3FB8];
	_ =	sdelay $0x3  }
0x37: {  	[smem:$0x3FB8] =	sst s10  }
0x38: {  	s10 =	sld [smem:$0x3FB9]  }
0x39: {  	_ = 	snop;
	(pc) =	sbr.ind lr, $3  }
0x3a: {  	_ = 	snop  }
0x3b: {  	_ = 	snop  }
0x3c: {  	p2 =	seq.s32 s10, $0x1;
	s10 =	sld [smem:$0x3FB8]  }
0x3d: {  	_ =	shalt  }
0x3e: {  	_ =	shalt  }
0x3f: {  	_ =	shalt  }
0x40: {  	_ =	shalt  }
0x41: {  	_ =	shalt  }
0x42: {  	_ =	shalt  }
0x43: {  	_ =	shalt  }
0x44: {  	_ =	shalt  }
0x45: {  	_ =	shalt  }
0x46: {  	_ =	shalt  }
0x47: {  	_ =	shalt  }
0x48: {  	_ =	shalt  }
0x49: {  	_ =	shalt  }
0x4a: {  	_ =	shalt  }
0x4b: {  	_ =	shalt  }
0x4c: {  	_ =	shalt  }
0x4d: {  	_ =	shalt  }
0x4e: {  	_ =	shalt  }
0x4f: {  	_ =	shalt  }
0x50: {  	_ =	shalt  }
0x51: {  	_ =	shalt  }
0x52: {  	_ =	shalt  }
0x53: {  	_ =	shalt  }
0x54: {  	_ =	shalt  }
0x55: {  	_ =	shalt  }
0x56: {  	_ =	shalt  }
0x57: {  	_ =	shalt  }
0x58: {  	_ =	shalt  }
0x59: {  	_ =	shalt  }
0x5a: {  	_ =	shalt  }
0x5b: {  	_ =	shalt  }
0x5c: {  	_ =	shalt  }
0x5d: {  	_ =	shalt  }
0x5e: {  	_ =	shalt  }
0x5f: {  	_ =	shalt  }
0x60: {  	_ =	shalt  }
0x61: {  	_ =	shalt  }
0x62: {  	_ =	shalt  }
0x63: {  	_ =	shalt  }
0x64: {  	_ =	shalt  }
0x65: {  	_ =	shalt  }
0x66: {  	_ =	shalt  }
0x67: {  	_ =	shalt  }
0x68: {  	_ =	shalt  }
0x69: {  	_ =	shalt  }
0x6a: {  	_ =	shalt  }
0x6b: {  	_ =	shalt  }
0x6c: {  	_ =	shalt  }
0x6d: {  	_ =	shalt  }
0x6e: {  	_ =	shalt  }
0x6f: {  	_ =	shalt  }
0x70: {  	_ =	shalt  }
0x71: {  	_ =	shalt  }
0x72: {  	_ =	shalt  }
0x73: {  	_ =	shalt  }
0x74: {  	_ =	shalt  }
0x75: {  	_ =	shalt  }
0x76: {  	_ =	shalt  }
0x77: {  	_ =	shalt  }
0x78: {  	_ =	shalt  }
0x79: {  	_ =	shalt  }
0x7a: {  	_ =	shalt  }
0x7b: {  	_ =	shalt  }
0x7c: {  	_ =	shalt  }
0x7d: {  	_ =	shalt  }
0x7e: {  	_ =	shalt  }
0x7f: {  	_ =	shalt  }
0x80: {  	_ =	shalt  }
0x81: {  	_ =	shalt  }
0x82: {  	_ =	shalt  }
0x83: {  	_ =	shalt  }
0x84: {  	_ =	shalt  }
0x85: {  	_ =	shalt  }
0x86: {  	_ =	shalt  }
0x87: {  	_ =	shalt  }
.Lfunc_end0:
.L_simem_size_0:
called_computation_lowered:
.L_overlay_start_0:
0x88: {  	s2 =	sld [smem:$0x3FD9]  }
0x89: {  	s3 =	sld [smem:$0x3FFE];
	_ =	sdelay $0x1  }
0x8a: {  	s1 =	srdreg.scid  }
0x8b: {  	s0 =	sand.u32 $0x1, s1  }
0x8c: {  	s17 =	sshll.u32 s0, $0xA;
	s2 =	sadd.s32 s3, s2  }
0x8d: {  	s2 =	sadd.s32 s2, s17  }
0x8e: {  	[smem:$0x3FC4] =	sst s2  }
0x8f: {  	_ = 	snop  }
0x90: {  	s2 =	sld [smem:$0x3FD0];
	(tm) =	ssettm $0x1  }
0x91: {  	s18 =	sld [smem:$0x3FFB];
	_ =	sdelay $0x3  }
0x92: {  	_ =	strace s18  }
0x93: {  	s3 =	sld [smem:$0x3FFC];
	_ =	sdelay $0x3  }
0x94: {  	_ =	strace s3  }
0x95: {  	s3 =	sld [smem:$0x3FFD];
	_ =	sdelay $0x3  }
0x96: {  	_ =	strace s3  }
0x97: {  	_ =	strace $0x8FFFFFFF  }
0x98: {  	s19 =	sld [smem:$0x3FDB];
	_ =	sdelay $0x1  }
0x99: {  	s4 =	simm.s32 $_scs_section_size  }
0x9a: {  	s5 =	simm.s32 $_size__tile_overlayer_lowered;
	s6 =	simm.s32 $_tile_overlayer_lowered  }
0x9b: {  	s22 =	simm.s32 $0x1BFF;
	s21 =	sshll.u32 s6, $0x1;
	s3 =	sadd.s32 s4, s19  }
0x9c: {  	s7 =	simm.s32 $0x0;
	s20 =	sshll.u32 s5, $0x1;
	s5 =	sadd.s32 s21, s3  }
0x9d: {  	[timem:s7], [sflag:s22] =	dma.local [hbm:s5], s20  }
0x9e: {  	_ =	swait.ge [sflag:s22], s20  }
0x9f: {  	s4 =	ssub.s32 $0x0, s20;
	[sflag:s22] =	ssyncset.done $0x0  }
0xa0: {  	[sflag:s22] =	ssyncadd.s32 s4;
	_ =	sdelay $0x1  }
0xa1: {  	s23 =	simm.s32 $0x1B8B  }
0xa2: {  	_ =	swait.ge [sflag:s23], $0x1  }
0xa3: {  	[sflag:s23] =	ssyncset.done $0x0  }
0xa4: {  	s25 =	simm.s32 $0x1B8E;
	s24 =	sld [smem:$0x3FFE];
	[sflag:s23] =	ssyncadd.s32 $0xFFFFFFFF  }
0xa5: {  	s26 =	simm.s32 $execute0_lowered;
	[smem:$0x3FD2] =	sst s25  }
0xa6: {  	s5 =	sshll.u32 s26, $0x1;
	_ =	strace $0x80000046;
	[dreg:$0x1] =	wrdreg $0xFFFFFFFF  }
0xa7: {  	s28 =	simm.s32 $_size_execute0_lowered;
	s3 =	sadd.s32 s3, s5;
	[dreg:$0x0] =	wrdreg $0x0  }
0xa8: {  	s5 =	sshll.u32 s28, $0x1;
	[dreg:$0x2] =	wrdreg s3  }
0xa9: {  	[dreg:$0x3] =	wrdreg s5  }
0xaa: {  	[dreg:$0x4] =	wrdreg $0xC0  }
0xab: {  	_ =	task [dreg:s7], $0x5FFFF  }
0xac: {  	[dreg:$0x1] =	wrdreg $0xFFFFFFFF  }
0xad: {  	[dreg:$0x0] =	wrdreg $0x60  }
0xae: {  	[dreg:$0x2] =	wrdreg s24  }
0xaf: {  	[dreg:$0x3] =	wrdreg s2  }
0xb0: {  	[dreg:$0x4] =	wrdreg $0x68000  }
0xb1: {  	[dreg:$0x5] =	wrdreg $0x9  }
0xb2: {  	_ =	task.clear_ibuf [dreg:s7], $0x6FFFF;
	_ =	strace $0x90000046  }
0xb3: {  	s29 =	simm.s32 $0x9;
	_ =	strace $0x80000048  }
0xb4: {  	_ =	swait.ge [sflag:s29], $0x1  }
0xb5: {  	[sflag:s29] =	ssyncadd.s32 $0xFFFFFFFF  }
0xb6: {  	_ =	strace $0x90000048  }
0xb7: {  	_ =	sfence  }
0xb8: {  	s30 =	sld [smem:$0x0];
	_ =	sdelay $0x2  }
0xb9: {  	s31 =	sshll.u32 s1, $0xD;
	s1 =	sshrl.u32 s1, $0x2  }
0xba: {  	s3 =	sand.u32 $0x4000, s31;
	s1 =	sadd.s32 s1, s30  }
0xbb: {  	s0 =	sor.u32 s3, s0;
	s1 =	sshll.u32 s1, $0x11  }
0xbc: {  	s0 =	sor.u32 s1, s0  }
0xbd: {  	s0 =	sadd.s32 $0x8F2B, s0  }
0xbe: {  	[sflag:s0] =	ssyncadd.remote.s32 $0x1  }
0xbf: {  	_ =	sfence.sel $0xFFFF  }
0xc0: {  	[dreg:$0x0] =	wrdreg $0xFFFFFFFF;
	(pc) =	sbr.abs _section_cstart, $3  }
0xc1: {  	[dreg:$0x1] =	wrdreg $0xFFFFFFFF  }
0xc2: {  	_ =	task.clear_ibuf [dreg:s7], $0x2FFFF;
	_ =	strace $0x9FFFFFFF  }
0xc3: {  	(tm) =	ssettm $0x7FFFFFFF  }
tec
execute0_lowered:
.L_overlay_start_1:
0x0: {  	(tag) =	ssettag $0x1  }
0x1: {  	s3 =	rddreg [dreg:$0x0]  }
0x2: {  	s4 =	rddreg [dreg:$0x1]  }
0x3: {  	s1 =	rddreg [dreg:$0x2]  }
0x4: {  	s0 =	rddreg [dreg:$0x3];
	s6 =	stileid.u32  }
0x5: {  	s2 =	simm.s32 $0x0;
	s7 =	srdreg.scid;
	s10 =	simm.s32 $0x4000  }
0x6: {  	s11 =	simm.s32 $0x1;
	s12 =	simm.s32 $0x0;
	s5 =	sshll.u32 s6, $0xB  }
0x7: {  	[smem:$0x7FF] =	sst s2;
	s31 =	sand.u32 $0x1, s7;
	p0 =	sne.s32 s6, $0x0  }
0x8: {  	s6 =	simm.s32 $0x4080;
	s3 =	sadd.s32 s5, s3;
	s7 =	ssub.s32 $0x2, s31  }
0x9: {  	s8 =	sshll.u32 s31, $0xF;
	s5 =	smul.u32 $0x4E2, s31;
	_ =	strace $0x80000047  }
0xa: {  	s9 =	sshrl.u32 s7, $0x1;
	s3 =	sadd.s32 s8, s3;
	s8 =	simm.s32 $0x2  }
0xb: {  	s7 =	ssub.s32 s7, s9;
	s3 =	sadd.s32 $0xB600, s3;
	s4 =	sadd.s32 s4, s5  }
0xc: {  	v0 =	vimm.f32 $1.000000000e+00;
	v1 =	vimm.f32 $0.0e+00;
	s9 =	simm.s32 $0x50;
	s5 =	smax.u32 s7, $0x1;
	s7 =	simm.s32 $0x3  }
.LBB2_1:
0xd: {  	[tilespmem:s2], [sflag:$0x2] =	stream.linear.gather [hbm4b:s3+s2], $0x3E80, $0x38;
	[tilespmem:$0x6A78] =	vst v63  }
.Ltmp0:
0xe: {  	[tilespmem:$0x4000] =	vst v0;
	(pc) =	sbr.rel @p0 .LBB2_5-.Ltmp0, $4  }
0xf: {  	[tilespmem:$0x4010] =	vst v0  }
0x10: {  	[tilespmem:$0x4020] =	vst v0  }
0x11: {  	[tilespmem:$0x4030] =	vst v0  }
0x12: {  	[tilespmem:$0x4040] =	vst v0  }
0x13: {  	s13 =	simm.s32 $0x40;
	s14 =	simm.s32 $0x0  }
.LBB2_3:
0x14: {  	p1 =	sne.s32 s13, $0x9C00;
	[tilespmem:s14+$0x4080] =	vst v1;
	s14 =	smov.u32 s13;
	s13 =	sadd.s32 $0x40, s13  }
.Ltmp1:
0x15: {  	(pc) =	sbr.rel @p1 .LBB2_3-.Ltmp1, $2  }
0x16: {  	_ =	sdelay $0x2  }
0x17: {  	s14 =	sshra.s32 s14, $0x2  }
0x18: {  	[tilespmem:s14+$0x4080] =	vst v1  }
0x19: {  	[spmem:s1] =	stream.linear.scatter [tilespmem:s6], [sflag:$0x3], $0x2780, $0x38;
	[tilespmem:$0x6A78] =	vst v63  }
0x1a: {  	_ =	swait.ge [sflag:s7], $0x2780  }
0x1b: {  	[sflag:s7] =	ssyncset.done $0x0  }
0x1c: {  	[sflag:s7] =	ssyncadd.s32 $0xFFFFD880  }
.LBB2_5:
0x1d: {  	_ =	swait.ge [sflag:s8], $0x3E80  }
0x1e: {  	[sflag:s8] =	ssyncset.done $0x0  }
0x1f: {  	[sflag:s8] =	ssyncadd.s32 $0xFFFFC180  }
0x20: {  	s13 =	simm.s32 $0x0;
	[bflag:$0x0] =	sbarrier.arrive $0xFFFF  }
.LBB2_6:
0x21: {  	p1 =	sne.s32 s13, $0xF800  }
.Ltmp2:
0x22: {  	_ = 	snop;
	(pc) =	sbr.rel @p1 .LBB2_6-.Ltmp2, $3  }
0x23: {  	_ =	sdelay $0x1  }
0x24: {  	s14 =	sshra.s32 s13, $0x2;
	s13 =	sadd.s32 $0x200, s13  }
0x25: {  	[spmem:s1] =	stream.indirect.scatter.add.f32 [tilespmem:s10], [sflag:$0x1], $0x1, s14, s9, $0xb8;
	[tilespmem:$0x6A78] =	vst v63  }
0x26: {  	_ =	swait.ge [sflag:s11], $0x50  }
0x27: {  	s13 =	simm.s32 $0x7C;
	[sflag:s11] =	ssyncset.done $0x0  }
.LBB2_8:
0x28: {  	p1 =	sne.s32 s13, $0x1;
	s13 =	sadd.s32 $0xFFFFFFFF, s13;
	[sflag:s11] =	ssyncadd.s32 $0xFFFFFFB0  }
.Ltmp3:
0x29: {  	(pc) =	sbr.rel @p1 .LBB2_8-.Ltmp3, $3  }
0x2a: {  	_ =	sdelay $0x1  }
0x2b: {  	_ =	swait.ge [sflag:s11], $0x50  }
0x2c: {  	[sflag:s11] =	ssyncset.done $0x0  }
0x2d: {  	[sflag:s11] =	ssyncadd.s32 $0xFFFFFFB0  }
0x2e: {  	s13 =	simm.s32 @!p0 $0x4080;
	s14 =	simm.s32 @!p0 $0x3;
	[bflag:$0x0] =	sbarrier.arrive $0xFFFF  }
0x2f: {  	[tilespmem:s13], [sflag:$0x3] =	stream.linear.gather @!p0 [spmem:s1], $0x2780, $0x38;
	[tilespmem:$0x6A78] =	vst v63  }
0x30: {  	s12 =	sadd.s32 $0x1, s12;
	_ =	swait.ge @!p0 [sflag:s14], $0x2780  }
0x31: {  	p1 =	sne.s32 s12, s5;
	[sflag:s14] =	ssyncset.done @!p0 $0x0  }
.Ltmp4:
0x32: {  	s15 =	simm.s32 @!p0 $0x0;
	[sflag:s14] =	ssyncadd.s32 @!p0 $0xFFFFD880;
	(pc) =	sbr.rel @p1 .LBB2_1-.Ltmp4, $4  }
0x33: {  	[hbm4b:s4+s15] =	stream.linear.scatter @!p0 [tilespmem:s13], [sflag:$0x3], $0x2710, $0x38;
	[tilespmem:$0x6A78] =	vst v63  }
0x34: {  	_ =	swait.ge @!p0 [sflag:s14], $0x2710  }
0x35: {  	[sflag:s14] =	ssyncset.done @!p0 $0x0  }
0x36: {  	[sflag:s14] =	ssyncadd.s32 @!p0 $0xFFFFD8F0  }
0x37: {  	_ =	sfence.sel $0x180000  }
0x38: {  	[bflag:$0x0] =	sbarrier.arrive $0xFFFF  }
0x39: {  	_ =	strace $0x90000047  }
0x3a: {  	s0 =	sadd.s32 @!p0 $0x100000, s0;
	[bflag:$0x2] =	sbarrier.arrive $0xFFFF  }
0x3b: {  	[sflag:s0] =	ssyncadd.tile.s32 @!p0 $0x1;
	_ =	shalt  }
.Lfunc_end2:
_tile_overlayer_lowered:
.L_overlay_start_2:
0x3c: {  	(tag) =	ssettag $0x2  }
0x3d: {  	s0 =	rddreg [dreg:$0x0];
	s2 =	stileid.u32  }
0x3e: {  	s1 =	rddreg [dreg:$0x1];
	p0 =	sne.s32 s2, $0x0  }
0x3f: {  	s3 =	rddreg [dreg:$0x2];
	[bflag:$0x3] =	sbarrier.arrive $0xFFFF;
	s2 =	simm.s32 @!p0 $0x1C03  }
0x40: {  	[timem:s3], [sflag:s2] =	dma.local @!p0 [hbm:s0], s1  }
0x41: {  	s0 =	simm.s32 @!p0 $0x3  }
0x42: {  	_ =	swait.ge @!p0 [sflag:s0], s1  }
0x43: {  	s1 =	ssub.s32 @!p0 $0x0, s1;
	[sflag:s0] =	ssyncset.done @!p0 $0x0  }
0x44: {  	[sflag:s0] =	ssyncadd.s32 @!p0 s1  }
0x45: {  	[bflag:$0x3] =	sbarrier.arrive $0xFFFF  }
0x46: {  	_ =	shalt  }

// kernel: kernel.9.cloned.1.call-start
scs
__scs_entry_jumppad:
0x0: {  	(pc) =	sbr.rel $0x88, $3  }
0x1: {  	(tag) =	ssettag $0x0;
	lr =	simm.s32 $0x1  }
0x2: {  	[smem:$0x3F9D] =	sst lr;
	_ =	strace $0xD0000000  }
0x3: {  	_ = 	snop  }
0x4: {  	_ = 	snop  }
0x5: {  	_ = 	snop  }
0x6: {  	_ = 	snop  }
0x7: {  	_ = 	snop  }
__scs_overlays_trampoline_lowered:
0x8: {  	[smem:$0x3FAC] =	sst s0  }
0x9: {  	[smem:$0x3FAD] =	sst s1  }
0xa: {  	[smem:$0x3FAE] =	sst s2  }
0xb: {  	[smem:$0x3FAF] =	sst s3  }
0xc: {  	[smem:$0x3FB0] =	sst s4  }
0xd: {  	[smem:$0x3FB1] =	sst s5  }
0xe: {  	[smem:$0x3FB2] =	sst s6  }
0xf: {  	[smem:$0x3FB3] =	sst s7  }
0x10: {  	[smem:$0x3FB4] =	sst s8  }
0x11: {  	[smem:$0x3FB5] =	sst s9;
	s0 =	simm.s32 @!p0 $0x0  }
0x12: {  	s1 =	sld [smem:$0x3F9B];
	s0 =	simm.s32 @p0 $0x1  }
0x13: {  	[smem:$0x3FB6] =	sst s0;
	s0 =	simm.s32 @!p1 $0x0  }
0x14: {  	s2 =	sld [smem:$0x3F9A];
	s0 =	simm.s32 @p1 $0x1  }
0x15: {  	[smem:$0x3FB7] =	sst s0;
	s0 =	simm.s32 @!p2 $0x0  }
0x16: {  	s3 =	sld [smem:$0x3FDB];
	s0 =	simm.s32 @p2 $0x1  }
0x17: {  	s4 =	simm.s32 $0x1BF5;
	[smem:$0x3FB9] =	sst s0  }
0x18: {  	s0 =	sld [smem:$0x3F9C];
	_ =	swait.ge [sflag:s4], $0x0  }
0x19: {  	s7 =	sld [smem:$0x3F9D]  }
0x1a: {  	s8 =	sadd.s32 $0xFFFFE003, lr  }
0x1b: {  	s9 =	sadd.s32 $0xFFFFFEF7, lr;
	s5 =	simm.s32 $0xFFFFFFFF;
	p2 =	slt.u32 s8, $0xFFFFF086  }
0x1c: {  	p1 =	slt.u32 s9, $0xF7A;
	s5 =	simm.s32 @!p2 $0x0  }
0x1d: {  	s5 =	simm.s32 @p1 $0x1;
	p0 =	seq.s32 s7, s2  }
0x1e: {  	s7 =	smul.u32 @!p0 $0xF7A, s2;
	p2 =	seq.s32 @!p0 s5, $0x0  }
0x1f: {  	s9 =	smul.u32 $0xF7A, s1;
	s8 =	simm.s32 @!p0 $0x1BF5;
	p2 =	por !p2, p0  }
0x20: {  	[sflag:s8] =	ssyncset.s32 @!p0 $0xFFFFF086;
	s6 =	sadd.s32 @!p0 s3, s7;
	s7 =	simm.s32 @!p0 $0x108  }
0x21: {  	s3 =	sadd.s32 s3, s9;
	s6 =	sadd.s32 @!p0 $0x88, s6;
	s7 =	simm.s32 @p2 $0x1082  }
0x22: {  	[simem:s7], [sflag:s8] =	dma.local @!p0 [hbm:s6], $0xF7A  }
0x23: {  	s9 =	sor.u32 $0xD0000000, s2;
	s6 =	simm.s32 $0x108;
	_ =	swait.ge @!p0 [sflag:s8], $0x0  }
0x24: {  	s3 =	sadd.s32 $0x88, s3;
	s6 =	simm.s32 @!p1 $0x1082;
	[sflag:s4] =	ssyncset.s32 $0xFFFFF086  }
0x25: {  	[simem:s6], [sflag:s4] =	dma.local [hbm:s3], $0xF7A  }
0x26: {  	[smem:$0x3F9D] =	sst s1;
	(tag) =	ssettag s2;
	_ =	strace s9  }
0x27: {  	s1 =	sld [smem:$0x3FAD]  }
0x28: {  	s2 =	sld [smem:$0x3FAE]  }
0x29: {  	s4 =	sld [smem:$0x3FB0]  }
0x2a: {  	p0 =	seq.s32 s5, $0x0;
	s5 =	sld [smem:$0x3FB1]  }
0x2b: {  	s6 =	sld [smem:$0x3FB2]  }
0x2c: {  	s7 =	sld [smem:$0x3FB3]  }
0x2d: {  	s3 =	simm.s32 $0x108;
	s8 =	sld [smem:$0x3FB4]  }
0x2e: {  	s3 =	simm.s32 @!p0 $0x1082;
	s9 =	sld [smem:$0x3FB5]  }
0x2f: {  	lr =	sadd.s32 s0, s3;
	s0 =	sld [smem:$0x3FAC]  }
0x30: {  	s3 =	sld [smem:$0x3FAF]  }
0x31: {  	[smem:$0x3FB8] =	sst s10  }
0x32: {  	s10 =	sld [smem:$0x3FB6];
	_ =	sdelay $0x3  }
0x33: {  	p0 =	seq.s32 s10, $0x1;
	s10 =	sld [smem:$0x3FB8];
	_ =	sdelay $0x3  }
0x34: {  	[smem:$0x3FB8] =	sst s10  }
0x35: {  	s10 =	sld [smem:$0x3FB7];
	_ =	sdelay $0x3  }
0x36: {  	p1 =	seq.s32 s10, $0x1;
	s10 =	sld [smem:$0x3FB8];
	_ =	sdelay $0x3  }
0x37: {  	[smem:$0x3FB8] =	sst s10  }
0x38: {  	s10 =	sld [smem:$0x3FB9]  }
0x39: {  	_ = 	snop;
	(pc) =	sbr.ind lr, $3  }
0x3a: {  	_ = 	snop  }
0x3b: {  	_ = 	snop  }
0x3c: {  	p2 =	seq.s32 s10, $0x1;
	s10 =	sld [smem:$0x3FB8]  }
0x3d: {  	_ =	shalt  }
0x3e: {  	_ =	shalt  }
0x3f: {  	_ =	shalt  }
0x40: {  	_ =	shalt  }
0x41: {  	_ =	shalt  }
0x42: {  	_ =	shalt  }
0x43: {  	_ =	shalt  }
0x44: {  	_ =	shalt  }
0x45: {  	_ =	shalt  }
0x46: {  	_ =	shalt  }
0x47: {  	_ =	shalt  }
0x48: {  	_ =	shalt  }
0x49: {  	_ =	shalt  }
0x4a: {  	_ =	shalt  }
0x4b: {  	_ =	shalt  }
0x4c: {  	_ =	shalt  }
0x4d: {  	_ =	shalt  }
0x4e: {  	_ =	shalt  }
0x4f: {  	_ =	shalt  }
0x50: {  	_ =	shalt  }
0x51: {  	_ =	shalt  }
0x52: {  	_ =	shalt  }
0x53: {  	_ =	shalt  }
0x54: {  	_ =	shalt  }
0x55: {  	_ =	shalt  }
0x56: {  	_ =	shalt  }
0x57: {  	_ =	shalt  }
0x58: {  	_ =	shalt  }
0x59: {  	_ =	shalt  }
0x5a: {  	_ =	shalt  }
0x5b: {  	_ =	shalt  }
0x5c: {  	_ =	shalt  }
0x5d: {  	_ =	shalt  }
0x5e: {  	_ =	shalt  }
0x5f: {  	_ =	shalt  }
0x60: {  	_ =	shalt  }
0x61: {  	_ =	shalt  }
0x62: {  	_ =	shalt  }
0x63: {  	_ =	shalt  }
0x64: {  	_ =	shalt  }
0x65: {  	_ =	shalt  }
0x66: {  	_ =	shalt  }
0x67: {  	_ =	shalt  }
0x68: {  	_ =	shalt  }
0x69: {  	_ =	shalt  }
0x6a: {  	_ =	shalt  }
0x6b: {  	_ =	shalt  }
0x6c: {  	_ =	shalt  }
0x6d: {  	_ =	shalt  }
0x6e: {  	_ =	shalt  }
0x6f: {  	_ =	shalt  }
0x70: {  	_ =	shalt  }
0x71: {  	_ =	shalt  }
0x72: {  	_ =	shalt  }
0x73: {  	_ =	shalt  }
0x74: {  	_ =	shalt  }
0x75: {  	_ =	shalt  }
0x76: {  	_ =	shalt  }
0x77: {  	_ =	shalt  }
0x78: {  	_ =	shalt  }
0x79: {  	_ =	shalt  }
0x7a: {  	_ =	shalt  }
0x7b: {  	_ =	shalt  }
0x7c: {  	_ =	shalt  }
0x7d: {  	_ =	shalt  }
0x7e: {  	_ =	shalt  }
0x7f: {  	_ =	shalt  }
0x80: {  	_ =	shalt  }
0x81: {  	_ =	shalt  }
0x82: {  	_ =	shalt  }
0x83: {  	_ =	shalt  }
0x84: {  	_ =	shalt  }
0x85: {  	_ =	shalt  }
0x86: {  	_ =	shalt  }
0x87: {  	_ =	shalt  }
.Lfunc_end0:
.L_simem_size_0:
called_computation.1_lowered:
.L_overlay_start_0:
0x88: {  	s2 =	sld [smem:$0x3FD9]  }
0x89: {  	s3 =	sld [smem:$0x3FFE];
	_ =	sdelay $0x1  }
0x8a: {  	s1 =	srdreg.scid  }
0x8b: {  	s0 =	sand.u32 $0x1, s1  }
0x8c: {  	s17 =	sshll.u32 s0, $0xA;
	s2 =	sadd.s32 s3, s2  }
0x8d: {  	s2 =	sadd.s32 s2, s17  }
0x8e: {  	[smem:$0x3FC4] =	sst s2  }
0x8f: {  	_ = 	snop  }
0x90: {  	s2 =	sld [smem:$0x3FD0];
	(tm) =	ssettm $0x1  }
0x91: {  	s18 =	sld [smem:$0x3FFB];
	_ =	sdelay $0x3  }
0x92: {  	_ =	strace s18  }
0x93: {  	s3 =	sld [smem:$0x3FFC];
	_ =	sdelay $0x3  }
0x94: {  	_ =	strace s3  }
0x95: {  	s3 =	sld [smem:$0x3FFD];
	_ =	sdelay $0x3  }
0x96: {  	_ =	strace s3  }
0x97: {  	_ =	strace $0x8FFFFFFF  }
0x98: {  	s19 =	sld [smem:$0x3FDB];
	_ =	sdelay $0x1  }
0x99: {  	s4 =	simm.s32 $_scs_section_size  }
0x9a: {  	s5 =	simm.s32 $_size__tile_overlayer_lowered;
	s6 =	simm.s32 $_tile_overlayer_lowered  }
0x9b: {  	s22 =	simm.s32 $0x1BFF;
	s21 =	sshll.u32 s6, $0x1;
	s3 =	sadd.s32 s4, s19  }
0x9c: {  	s7 =	simm.s32 $0x0;
	s20 =	sshll.u32 s5, $0x1;
	s5 =	sadd.s32 s21, s3  }
0x9d: {  	[timem:s7], [sflag:s22] =	dma.local [hbm:s5], s20  }
0x9e: {  	_ =	swait.ge [sflag:s22], s20  }
0x9f: {  	s4 =	ssub.s32 $0x0, s20;
	[sflag:s22] =	ssyncset.done $0x0  }
0xa0: {  	[sflag:s22] =	ssyncadd.s32 s4;
	_ =	sdelay $0x1  }
0xa1: {  	s23 =	simm.s32 $0x1B8B  }
0xa2: {  	_ =	swait.ge [sflag:s23], $0x1  }
0xa3: {  	[sflag:s23] =	ssyncset.done $0x0  }
0xa4: {  	s25 =	simm.s32 $0x1B8E;
	s24 =	sld [smem:$0x3FFE];
	[sflag:s23] =	ssyncadd.s32 $0xFFFFFFFF  }
0xa5: {  	s26 =	simm.s32 $execute0_lowered;
	[smem:$0x3FD2] =	sst s25  }
0xa6: {  	s5 =	sshll.u32 s26, $0x1;
	_ =	strace $0x80000049;
	[dreg:$0x1] =	wrdreg $0xFFFFFFFF  }
0xa7: {  	s28 =	simm.s32 $_size_execute0_lowered;
	s3 =	sadd.s32 s3, s5;
	[dreg:$0x0] =	wrdreg $0x0  }
0xa8: {  	s5 =	sshll.u32 s28, $0x1;
	[dreg:$0x2] =	wrdreg s3  }
0xa9: {  	[dreg:$0x3] =	wrdreg s5  }
0xaa: {  	[dreg:$0x4] =	wrdreg $0xC0  }
0xab: {  	_ =	task [dreg:s7], $0x5FFFF  }
0xac: {  	[dreg:$0x1] =	wrdreg $0xFFFFFFFF  }
0xad: {  	[dreg:$0x0] =	wrdreg $0x60  }
0xae: {  	[dreg:$0x2] =	wrdreg s2  }
0xaf: {  	[dreg:$0x3] =	wrdreg s24  }
0xb0: {  	[dreg:$0x4] =	wrdreg $0xB7800  }
0xb1: {  	[dreg:$0x5] =	wrdreg $0x9  }
0xb2: {  	_ =	task.clear_ibuf [dreg:s7], $0x6FFFF;
	_ =	strace $0x90000049  }
0xb3: {  	s29 =	simm.s32 $0x9;
	_ =	strace $0x8000004B  }
0xb4: {  	_ =	swait.ge [sflag:s29], $0x1  }
0xb5: {  	[sflag:s29] =	ssyncadd.s32 $0xFFFFFFFF  }
0xb6: {  	_ =	strace $0x9000004B  }
0xb7: {  	_ =	sfence  }
0xb8: {  	s30 =	sld [smem:$0x0];
	_ =	sdelay $0x2  }
0xb9: {  	s31 =	sshll.u32 s1, $0xD;
	s1 =	sshrl.u32 s1, $0x2  }
0xba: {  	s3 =	sand.u32 $0x4000, s31;
	s1 =	sadd.s32 s1, s30  }
0xbb: {  	s0 =	sor.u32 s3, s0;
	s1 =	sshll.u32 s1, $0x11  }
0xbc: {  	s0 =	sor.u32 s1, s0  }
0xbd: {  	s0 =	sadd.s32 $0x8F2B, s0  }
0xbe: {  	[sflag:s0] =	ssyncadd.remote.s32 $0x1  }
0xbf: {  	_ =	sfence.sel $0xFFFF  }
0xc0: {  	[dreg:$0x0] =	wrdreg $0xFFFFFFFF;
	(pc) =	sbr.abs _section_cstart, $3  }
0xc1: {  	[dreg:$0x1] =	wrdreg $0xFFFFFFFF  }
0xc2: {  	_ =	task.clear_ibuf [dreg:s7], $0x2FFFF;
	_ =	strace $0x9FFFFFFF  }
0xc3: {  	(tm) =	ssettm $0x7FFFFFFF  }
tec
execute0_lowered:
.L_overlay_start_1:
0x0: {  	(tag) =	ssettag $0x1  }
0x1: {  	s1 =	rddreg [dreg:$0x0]  }
0x2: {  	s0 =	srdreg.scid;
	s2 =	rddreg [dreg:$0x1]  }
0x3: {  	s19 =	stileid.u32;
	s3 =	rddreg [dreg:$0x2];
	s20 =	simm.s32 $0x6780  }
0x4: {  	s21 =	simm.s32 $0x5;
	s22 =	simm.s32 $0x3;
	s23 =	simm.s32 $0x4  }
0x5: {  	s24 =	simm.s32 $0x50;
	s25 =	simm.s32 $0x8F80;
	s26 =	simm.s32 $0x1  }
0x6: {  	s28 =	simm.s32 $0x2;
	s0 =	sand.u32 $0x1, s0;
	s8 =	smul.u32 $0x4E000, s19  }
0x7: {  	s31 =	smul.u32 $0x13800, s19;
	p0 =	sne.s32 s19, $0xF;
	s4 =	sshll.u32 s0, $0x4  }
0x8: {  	s30 =	ssub.s32 $0x2, s0;
	s0 =	smul.u32 $0x138800, s0;
	s5 =	sor.u32 s19, s4  }
0x9: {  	s4 =	simm.s32 $0x0;
	s9 =	sshrl.u32 s30, $0x1;
	s8 =	sshrl.u32 s8, $0x2  }
0xa: {  	s6 =	smul.u32 $0x4E2, s5;
	[smem:$0x7FF] =	sst s4;
	s5 =	sshll.u32 s5, $0xB  }
0xb: {  	s12 =	ssub.s32 s30, s9;
	s10 =	sadd.s32 s31, s0;
	s0 =	sshrl.u32 s0, $0x3  }
0xc: {  	s9 =	sadd.s32 $0x138000, s3;
	_ =	strace $0x8000004A;
	s7 =	sadd.s32 s5, s2  }
0xd: {  	s10 =	sshrl.u32 s10, $0x3;
	s12 =	smax.u32 s12, $0x1;
	s6 =	sadd.s32 s6, s2  }
0xe: {  	s2 =	sadd.s32 $0x1B600, s2;
	s5 =	sadd.s32 $0x1800, s6;
	s6 =	sadd.s32 $0xB600, s7  }
0xf: {  	s7 =	sadd.s32 s8, s3;
	s0 =	sadd.s32 s2, s0;
	s10 =	sadd.s32 s2, s10  }
0x10: {  	s8 =	sadd.s32 $0x11800, s7;
	s11 =	sadd.s32 $0x27000, s0;
	s13 =	sadd.s32 $0x2800, s7  }
0x11: {  	s14 =	sadd.s32 $0x5000, s7;
	s15 =	sadd.s32 $0x7800, s7;
	s16 =	sadd.s32 $0xA000, s7  }
0x12: {  	v0 =	vimm.f32 $0.0e+00;
	s17 =	sadd.s32 $0xC800, s7;
	s18 =	sadd.s32 $0xF000, s7;
	s0 =	simm.s32 $0x0  }
.LBB2_1:
0x13: {  	[tilespmem:s4], [sflag:$0x3] =	stream.linear.gather [hbm4b:s5+s4], $0x2710, $0x38;
	[tilespmem:$0x1F000] =	vst v63  }
0x14: {  	s2 =	simm.s32 $0x2780;
	s19 =	simm.s32 $0x70;
	s29 =	simm.s32 $0x3C0  }
0x15: {  	[tilespmem:s2], [sflag:$0x4] =	stream.linear.gather [hbm4b:s6+s4], $0x3E80, $0x38;
	[tilespmem:$0x1F000] =	vst v63  }
.LBB2_2:
0x16: {  	p1 =	sne.s32 s29, $0x9FC0;
	[tilespmem:s19+$0x6780] =	vst v0  }
0x17: {  	[tilespmem:s19+$0x6710] =	vst v0  }
0x18: {  	[tilespmem:s19+$0x6720] =	vst v0  }
.Ltmp0:
0x19: {  	[tilespmem:s19+$0x6730] =	vst v0;
	(pc) =	sbr.rel @p1 .LBB2_2-.Ltmp0, $4  }
0x1a: {  	[tilespmem:s19+$0x6740] =	vst v0  }
0x1b: {  	[tilespmem:s19+$0x6750] =	vst v0  }
0x1c: {  	[tilespmem:s19+$0x6760] =	vst v0  }
0x1d: {  	[tilespmem:s19+$0x6770] =	vst v0;
	s19 =	sshra.s32 s29, $0x2;
	s29 =	sadd.s32 $0x200, s29  }
0x1e: {  	[tilespmem:s19+$0x6780] =	vst v0  }
0x1f: {  	[tilespmem:s19+$0x6710] =	vst v0  }
0x20: {  	[tilespmem:s19+$0x6720] =	vst v0  }
0x21: {  	[tilespmem:s19+$0x6730] =	vst v0  }
0x22: {  	[tilespmem:s19+$0x6740] =	vst v0  }
0x23: {  	[tilespmem:s19+$0x6750] =	vst v0  }
0x24: {  	[tilespmem:s19+$0x6760] =	vst v0  }
0x25: {  	[tilespmem:s19+$0x6770] =	vst v0  }
0x26: {  	[spmem:s7] =	stream.linear.scatter [tilespmem:s20], [sflag:$0x5], $0x2800, $0x38;
	[tilespmem:$0x1F000] =	vst v63  }
0x27: {  	_ =	swait.ge [sflag:s21], $0x2800  }
0x28: {  	[sflag:s21] =	ssyncset.done $0x0  }
0x29: {  	[sflag:s21] =	ssyncadd.s32 $0xFFFFD800  }
0x2a: {  	[spmem:s13] =	stream.linear.scatter [tilespmem:s20], [sflag:$0x5], $0x2800, $0x38;
	[tilespmem:$0x1F000] =	vst v63  }
0x2b: {  	_ =	swait.ge [sflag:s21], $0x2800  }
0x2c: {  	[sflag:s21] =	ssyncset.done $0x0  }
0x2d: {  	[sflag:s21] =	ssyncadd.s32 $0xFFFFD800  }
0x2e: {  	[spmem:s14] =	stream.linear.scatter [tilespmem:s20], [sflag:$0x5], $0x2800, $0x38;
	[tilespmem:$0x1F000] =	vst v63  }
0x2f: {  	_ =	swait.ge [sflag:s21], $0x2800  }
0x30: {  	[sflag:s21] =	ssyncset.done $0x0  }
0x31: {  	[sflag:s21] =	ssyncadd.s32 $0xFFFFD800  }
0x32: {  	[spmem:s15] =	stream.linear.scatter [tilespmem:s20], [sflag:$0x5], $0x2800, $0x38;
	[tilespmem:$0x1F000] =	vst v63  }
0x33: {  	_ =	swait.ge [sflag:s21], $0x2800  }
0x34: {  	[sflag:s21] =	ssyncset.done $0x0  }
0x35: {  	[sflag:s21] =	ssyncadd.s32 $0xFFFFD800  }
0x36: {  	[spmem:s16] =	stream.linear.scatter [tilespmem:s20], [sflag:$0x5], $0x2800, $0x38;
	[tilespmem:$0x1F000] =	vst v63  }
0x37: {  	_ =	swait.ge [sflag:s21], $0x2800  }
0x38: {  	[sflag:s21] =	ssyncset.done $0x0  }
0x39: {  	[sflag:s21] =	ssyncadd.s32 $0xFFFFD800  }
0x3a: {  	[spmem:s17] =	stream.linear.scatter [tilespmem:s20], [sflag:$0x5], $0x2800, $0x38;
	[tilespmem:$0x1F000] =	vst v63  }
0x3b: {  	_ =	swait.ge [sflag:s21], $0x2800  }
0x3c: {  	[sflag:s21] =	ssyncset.done $0x0  }
0x3d: {  	[sflag:s21] =	ssyncadd.s32 $0xFFFFD800  }
0x3e: {  	[spmem:s18] =	stream.linear.scatter [tilespmem:s20], [sflag:$0x5], $0x2800, $0x38;
	[tilespmem:$0x1F000] =	vst v63  }
0x3f: {  	_ =	swait.ge [sflag:s21], $0x2800  }
0x40: {  	[sflag:s21] =	ssyncset.done $0x0  }
0x41: {  	[sflag:s21] =	ssyncadd.s32 $0xFFFFD800  }
0x42: {  	[spmem:s8] =	stream.linear.scatter [tilespmem:s20], [sflag:$0x5], $0x2000, $0x38;
	[tilespmem:$0x1F000] =	vst v63  }
0x43: {  	_ =	swait.ge [sflag:s21], $0x2000  }
0x44: {  	[sflag:s21] =	ssyncset.done $0x0  }
0x45: {  	s19 =	simm.s32 @!p0 $0x6780;
	[sflag:s21] =	ssyncadd.s32 $0xFFFFE000  }
0x46: {  	[spmem:s9] =	stream.linear.scatter @!p0 [tilespmem:s19], [sflag:$0x5], $0x800, $0x38;
	[tilespmem:$0x1F000] =	vst v63  }
0x47: {  	s19 =	simm.s32 @!p0 $0x5  }
0x48: {  	_ =	swait.ge @!p0 [sflag:s19], $0x800  }
0x49: {  	[sflag:s19] =	ssyncset.done @!p0 $0x0  }
0x4a: {  	[sflag:s19] =	ssyncadd.s32 @!p0 $0xFFFFF800  }
0x4b: {  	_ =	swait.ge [sflag:s22], $0x2710  }
0x4c: {  	[sflag:s22] =	ssyncset.done $0x0  }
0x4d: {  	[sflag:s22] =	ssyncadd.s32 $0xFFFFD8F0  }
0x4e: {  	_ =	swait.ge [sflag:s23], $0x3E80  }
0x4f: {  	[sflag:s23] =	ssyncset.done $0x0  }
0x50: {  	s2 =	simm.s32 $0x0;
	[sflag:s23] =	ssyncadd.s32 $0xFFFFC180  }
0x51: {  	[tilespmem:s20], [sflag:$0x1] =	stream.indirect.gather [hbm4b:s1+s24], $0x80, s2, s24, $0xb8;
	[tilespmem:$0x1F000] =	vst v63  }
0x52: {  	_ = 	snop  }
0x53: {  	[tilespmem:s25], [sflag:$0x2] =	stream.indirect.gather [hbm4b:s1+s24], $0x80, s24, s24, $0xb8;
	[tilespmem:$0x1F000] =	vst v63  }
0x54: {  	[bflag:$0x0] =	sbarrier.arrive $0xFFFF  }
0x55: {  	_ =	swait.ge [sflag:s26], $0x2800  }
0x56: {  	[sflag:s26] =	ssyncset.done $0x0  }
0x57: {  	s31 =	simm.s32 $0x2780;
	[sflag:s26] =	ssyncadd.s32 $0xFFFFD800  }
0x58: {  	[spmem:s3] =	stream.indirect.scatter.add.f32 [tilespmem:s20], [sflag:$0x3], $0x80, s31, s24, $0xb8;
	[tilespmem:$0x1F000] =	vst v63  }
0x59: {  	_ =	swait.ge [sflag:s28], $0x2800  }
0x5a: {  	[sflag:s28] =	ssyncset.done $0x0  }
0x5b: {  	s2 =	simm.s32 $0x2800;
	[sflag:s28] =	ssyncadd.s32 $0xFFFFD800  }
0x5c: {  	[spmem:s3] =	stream.indirect.scatter.add.f32 [tilespmem:s25], [sflag:$0x4], $0x80, s2, s24, $0xb8;
	[tilespmem:$0x1F000] =	vst v63  }
0x5d: {  	_ =	swait.ge [sflag:s22], $0x2800  }
0x5e: {  	[sflag:s22] =	ssyncset.done $0x0  }
0x5f: {  	s31 =	simm.s32 $0xA0;
	[sflag:s22] =	ssyncadd.s32 $0xFFFFD800  }
0x60: {  	[tilespmem:s20], [sflag:$0x1] =	stream.indirect.gather [hbm4b:s1+s24], $0x80, s31, s24, $0xb8;
	[tilespmem:$0x1F000] =	vst v63  }
0x61: {  	_ =	swait.ge [sflag:s23], $0x2800  }
0x62: {  	s29 =	simm.s32 $0x400;
	[sflag:s23] =	ssyncset.done $0x0  }
0x63: {  	s30 =	simm.s32 $0x190;
	s19 =	simm.s32 $0xF0;
	[sflag:s23] =	ssyncadd.s32 $0xFFFFD800  }
.LBB2_4:
0x64: {  	[tilespmem:s25], [sflag:$0x2] =	stream.indirect.gather [hbm4b:s1+s24], $0x80, s19, s24, $0xb8;
	[tilespmem:$0x1F000] =	vst v63  }
0x65: {  	s31 =	smov.u32 s29;
	s19 =	smov.u32 s30  }
0x66: {  	p1 =	sne.s32 s29, $0xF000;
	s29 =	sadd.s32 $0x400, s29;
	_ =	swait.ge [sflag:s26], $0x2800  }
0x67: {  	s31 =	sshra.s32 s31, $0x2;
	[sflag:s26] =	ssyncset.done $0x0  }
0x68: {  	s2 =	sadd.s32 $0x2780, s31;
	[sflag:s26] =	ssyncadd.s32 $0xFFFFD800  }
0x69: {  	[spmem:s3] =	stream.indirect.scatter.add.f32 [tilespmem:s20], [sflag:$0x3], $0x80, s2, s24, $0xb8;
	[tilespmem:$0x1F000] =	vst v63  }
0x6a: {  	_ =	swait.ge [sflag:s28], $0x2800  }
0x6b: {  	[sflag:s28] =	ssyncset.done $0x0  }
0x6c: {  	s2 =	sadd.s32 $0x2800, s31;
	[sflag:s28] =	ssyncadd.s32 $0xFFFFD800  }
0x6d: {  	[spmem:s3] =	stream.indirect.scatter.add.f32 [tilespmem:s25], [sflag:$0x4], $0x80, s2, s24, $0xb8;
	[tilespmem:$0x1F000] =	vst v63  }
0x6e: {  	_ =	swait.ge [sflag:s22], $0x2800  }
0x6f: {  	[sflag:s22] =	ssyncset.done $0x0  }
.Ltmp1:
0x70: {  	s2 =	sadd.s32 $0xFFFFFFB0, s30;
	[sflag:s22] =	ssyncadd.s32 $0xFFFFD800;
	(pc) =	sbr.rel @p1 .LBB2_4-.Ltmp1, $4  }
0x71: {  	[tilespmem:s20], [sflag:$0x1] =	stream.indirect.gather [hbm4b:s1+s24], $0x80, s2, s24, $0xb8;
	[tilespmem:$0x1F000] =	vst v63  }
0x72: {  	_ =	swait.ge [sflag:s23], $0x2800  }
0x73: {  	[sflag:s23] =	ssyncset.done $0x0  }
0x74: {  	s30 =	sadd.s32 $0xA0, s30;
	[sflag:s23] =	ssyncadd.s32 $0xFFFFD800  }
0x75: {  	[tilespmem:s25], [sflag:$0x2] =	stream.indirect.gather [hbm4b:s1+s24], $0x80, s19, s24, $0xb8;
	[tilespmem:$0x1F000] =	vst v63  }
0x76: {  	_ =	swait.ge [sflag:s26], $0x2800  }
0x77: {  	[sflag:s26] =	ssyncset.done $0x0  }
0x78: {  	s2 =	simm.s32 $0x6480;
	[sflag:s26] =	ssyncadd.s32 $0xFFFFD800  }
0x79: {  	[spmem:s3] =	stream.indirect.scatter.add.f32 [tilespmem:s20], [sflag:$0x3], $0x80, s2, s24, $0xb8;
	[tilespmem:$0x1F000] =	vst v63  }
0x7a: {  	_ =	swait.ge [sflag:s28], $0x2800  }
0x7b: {  	[sflag:s28] =	ssyncset.done $0x0  }
0x7c: {  	s31 =	simm.s32 $0x6500;
	[sflag:s28] =	ssyncadd.s32 $0xFFFFD800  }
0x7d: {  	[spmem:s3] =	stream.indirect.scatter.add.f32 [tilespmem:s25], [sflag:$0x4], $0x80, s31, s24, $0xb8;
	[tilespmem:$0x1F000] =	vst v63  }
0x7e: {  	_ =	swait.ge [sflag:s22], $0x2800  }
0x7f: {  	[sflag:s22] =	ssyncset.done $0x0  }
0x80: {  	s19 =	simm.s32 $0x26C0;
	[sflag:s22] =	ssyncadd.s32 $0xFFFFD800  }
0x81: {  	[tilespmem:s20], [sflag:$0x1] =	stream.indirect.gather [hbm4b:s1+s24], $0x80, s19, s24, $0xb8;
	[tilespmem:$0x1F000] =	vst v63  }
0x82: {  	_ =	swait.ge [sflag:s26], $0x2800  }
0x83: {  	[sflag:s26] =	ssyncset.done $0x0  }
0x84: {  	s29 =	simm.s32 $0x6580;
	[sflag:s26] =	ssyncadd.s32 $0xFFFFD800  }
0x85: {  	[spmem:s3] =	stream.indirect.scatter.add.f32 [tilespmem:s20], [sflag:$0x3], $0x80, s29, s24, $0xb8;
	[tilespmem:$0x1F000] =	vst v63  }
0x86: {  	_ =	swait.ge [sflag:s23], $0x2800  }
0x87: {  	[sflag:s23] =	ssyncset.done $0x0  }
0x88: {  	[sflag:s23] =	ssyncadd.s32 $0xFFFFD800  }
0x89: {  	_ =	swait.ge [sflag:s22], $0x2800  }
0x8a: {  	s30 =	stileid.u32;
	[sflag:s22] =	ssyncset.done $0x0  }
0x8b: {  	s2 =	sshll.u32 s30, $0x6;
	[sflag:s22] =	ssyncadd.s32 $0xFFFFD800  }
0x8c: {  	s2 =	sor.u32 $0x1C05, s2;
	s31 =	sshrl.u32 s7, $0x3;
	[bflag:$0x0] =	sbarrier.arrive $0xFFFF  }
0x8d: {  	[hbm:s10], [sflag:s2] =	dma.local [spmem:s31], $0x2700  }
0x8e: {  	_ =	swait.ge [sflag:s21], $0x2700  }
0x8f: {  	s0 =	sadd.s32 $0x1, s0;
	[sflag:s21] =	ssyncset.done $0x0  }
0x90: {  	p1 =	sne.s32 s0, s12;
	s19 =	sshrl.u32 @!p0 s9, $0x3;
	[sflag:s21] =	ssyncadd.s32 $0xFFFFD900  }
0x91: {  	[hbm:s11], [sflag:s2] =	dma.local @!p0 [spmem:s19], $0x100  }
.Ltmp2:
0x92: {  	_ = 	snop;
	(pc) =	sbr.rel @p1 .LBB2_1-.Ltmp2, $4  }
0x93: {  	s2 =	simm.s32 @!p0 $0x5  }
0x94: {  	_ =	swait.ge @!p0 [sflag:s2], $0x100  }
0x95: {  	[sflag:s2] =	ssyncset.done @!p0 $0x0  }
0x96: {  	[sflag:s2] =	ssyncadd.s32 @!p0 $0xFFFFFF00  }
0x97: {  	_ =	sfence.sel $0x180000  }
0x98: {  	[bflag:$0x0] =	sbarrier.arrive $0xFFFF  }
0x99: {  	_ =	strace $0x9000004A  }
0x9a: {  	s0 =	stileid.u32;
	[bflag:$0x2] =	sbarrier.arrive $0xFFFF  }
0x9b: {  	p0 =	sne.s32 s0, $0x0;
	s0 =	rddreg [dreg:$0x3]  }
0x9c: {  	s0 =	sadd.s32 @!p0 $0x100000, s0  }
0x9d: {  	[sflag:s0] =	ssyncadd.tile.s32 @!p0 $0x1;
	_ =	shalt  }
.Lfunc_end2:
_tile_overlayer_lowered:
.L_overlay_start_2:
0x9e: {  	(tag) =	ssettag $0x2  }
0x9f: {  	s0 =	rddreg [dreg:$0x0];
	s2 =	stileid.u32  }
0xa0: {  	s1 =	rddreg [dreg:$0x1];
	p0 =	sne.s32 s2, $0x0  }
0xa1: {  	s3 =	rddreg [dreg:$0x2];
	[bflag:$0x3] =	sbarrier.arrive $0xFFFF;
	s2 =	simm.s32 @!p0 $0x1C05  }
0xa2: {  	[timem:s3], [sflag:s2] =	dma.local @!p0 [hbm:s0], s1  }
0xa3: {  	s0 =	simm.s32 @!p0 $0x5  }
0xa4: {  	_ =	swait.ge @!p0 [sflag:s0], s1  }
0xa5: {  	s1 =	ssub.s32 @!p0 $0x0, s1;
	[sflag:s0] =	ssyncset.done @!p0 $0x0  }
0xa6: {  	[sflag:s0] =	ssyncadd.s32 @!p0 s1  }
0xa7: {  	[bflag:$0x3] =	sbarrier.arrive $0xFFFF  }
0xa8: {  	_ =	shalt  }

</sc_bundles>
